<compile_context>
chip_gen: v7x
topology: tpu7x:2x2x1
jax: 0.10.2.dev20260603
libtpu: 0.0.44.dev20260713+nightly
codegen_flags: <defaults>
</compile_context>

<pallas_src>
import functools

import jax
import jax.numpy as jnp
from jax import lax
from jax.experimental import pallas as pl
from jax.experimental.pallas import tpu as pltpu
from jax.experimental.pallas import tpu_sc as plsc

N = 10000
D = 128
E = 320000

NC = 2
NS = 16
NW = NC * NS
CHUNK = 128
CPW = 80
E_PAD = NW * CPW * CHUNK
N_PAD = 10240
RPS = N_PAD // NS
BM = 512
BM_OUT = 400

_mesh = plsc.VectorSubcoreMesh(core_axis_name="c", subcore_axis_name="s")



@functools.partial(
    pl.kernel,
    out_type=jax.ShapeDtypeStruct((NC, N_PAD, D), jnp.float32),
    mesh=_mesh,
    scratch_types=[
        pltpu.VMEM((CHUNK, D), jnp.float32),
        pltpu.VMEM((CPW, CHUNK), jnp.int32),
        pltpu.VMEM_SHARED((N_PAD, D), jnp.float32),
        pltpu.SemaphoreType.DMA,
    ],
)
def _deg_partials(dst_hbm, ones_hbm, z16_hbm, out_hbm, ones_v, idx_v, acc_sh,
                  sem):
    c = lax.axis_index("c")
    s = lax.axis_index("s")
    w = s * NC + c
    pltpu.sync_copy(ones_hbm, ones_v)
    pltpu.sync_copy(z16_hbm.at[pl.ds(s * RPS, RPS)],
                    acc_sh.at[pl.ds(s * RPS, RPS)])
    pltpu.sync_copy(dst_hbm.at[pl.ds(w * CPW, CPW)], idx_v)
    plsc.subcore_barrier()

    @pl.loop(0, CPW)
    def _(j):
        pltpu.sync_copy(ones_v, acc_sh.at[idx_v.at[j]], add=True)

    plsc.subcore_barrier()
    pltpu.sync_copy(acc_sh.at[pl.ds(s * RPS, RPS)],
                    out_hbm.at[c].at[pl.ds(s * RPS, RPS)])


@functools.partial(
    pl.kernel,
    out_type=jax.ShapeDtypeStruct((NC, N_PAD, D), jnp.float32),
    mesh=_mesh,
    scratch_types=[
        pltpu.VMEM((CPW // 2, CHUNK), jnp.int32),
        pltpu.VMEM((CPW // 2, CHUNK), jnp.int32),
        pltpu.VMEM((2, CHUNK, D), jnp.float32),
        pltpu.VMEM_SHARED((N_PAD, D), jnp.float32),
        pltpu.SemaphoreType.DMA,
        pltpu.SemaphoreType.DMA,
    ],
)
def _edge_partials(g_hbm, src_hbm, dst_hbm, z_hbm, out_hbm,
                   src_v, dst_v, rows_v, acc_sh, sem0, sem1):
    c = lax.axis_index("c")
    s = lax.axis_index("s")
    w = s * NC + c
    H = CPW // 2
    pltpu.sync_copy(z_hbm.at[pl.ds(s * RPS, RPS)],
                    acc_sh.at[pl.ds(s * RPS, RPS)])
    plsc.subcore_barrier()

    for h in range(2):
        pltpu.sync_copy(src_hbm.at[pl.ds(w * CPW + h * H, H)], src_v)
        pltpu.sync_copy(dst_hbm.at[pl.ds(w * CPW + h * H, H)], dst_v)

        @pl.loop(0, H)
        def _(j):
            pltpu.sync_copy(g_hbm.at[src_v.at[j]], rows_v.at[0])
            pltpu.sync_copy(rows_v.at[0], acc_sh.at[dst_v.at[j]], add=True)

    plsc.subcore_barrier()
    pltpu.sync_copy(acc_sh.at[pl.ds(s * RPS, RPS)],
                    out_hbm.at[c].at[pl.ds(s * RPS, RPS)])



def _mm_body(x_ref, w_ref, o_ref):
    o_ref[...] = jnp.dot(x_ref[...], w_ref[...],
                         preferred_element_type=jnp.float32)


_matmul = pl.pallas_call(
    _mm_body,
    grid=(N_PAD // BM,),
    in_specs=[
        pl.BlockSpec((BM, D), lambda i: (i, 0)),
        pl.BlockSpec((D, D), lambda i: (0, 0)),
    ],
    out_specs=pl.BlockSpec((BM, D), lambda i: (i, 0)),
    out_shape=jax.ShapeDtypeStruct((N_PAD, D), jnp.float32),
)


def _prep_body(degp_ref, h_ref, g_ref, dinv_ref):
    deg = degp_ref[0, :, 0:1] + degp_ref[1, :, 0:1] + 1.0
    dinv = lax.rsqrt(deg)
    dinv_ref[...] = dinv
    g_ref[...] = h_ref[...] * dinv


_prep = pl.pallas_call(
    _prep_body,
    grid=(N_PAD // BM,),
    in_specs=[
        pl.BlockSpec((NC, BM, D), lambda i: (0, i, 0)),
        pl.BlockSpec((BM, D), lambda i: (i, 0)),
    ],
    out_specs=[
        pl.BlockSpec((BM, D), lambda i: (i, 0)),
        pl.BlockSpec((BM, 1), lambda i: (i, 0)),
    ],
    out_shape=[
        jax.ShapeDtypeStruct((N_PAD, D), jnp.float32),
        jax.ShapeDtypeStruct((N_PAD, 1), jnp.float32),
    ],
)


def _layer_body(p_ref, g_ref, dinv_ref, b_ref, w_ref, o_ref):
    dinv = dinv_ref[...]
    h = jnp.maximum(
        dinv * (p_ref[0] + p_ref[1] + g_ref[...]) + b_ref[...], 0.0)
    o_ref[...] = jnp.dot(h, w_ref[...],
                         preferred_element_type=jnp.float32) * dinv


_layer = pl.pallas_call(
    _layer_body,
    grid=(N_PAD // BM,),
    in_specs=[
        pl.BlockSpec((NC, BM, D), lambda i: (0, i, 0)),
        pl.BlockSpec((BM, D), lambda i: (i, 0)),
        pl.BlockSpec((BM, 1), lambda i: (i, 0)),
        pl.BlockSpec((1, D), lambda i: (0, 0)),
        pl.BlockSpec((D, D), lambda i: (0, 0)),
    ],
    out_specs=pl.BlockSpec((BM, D), lambda i: (i, 0)),
    out_shape=jax.ShapeDtypeStruct((N_PAD, D), jnp.float32),
)


def _final_body(p_ref, g_ref, dinv_ref, b_ref, o_ref):
    o_ref[...] = jnp.maximum(
        dinv_ref[...] * (p_ref[0] + p_ref[1] + g_ref[...]) + b_ref[...], 0.0)


_final = pl.pallas_call(
    _final_body,
    grid=(N // BM_OUT,),
    in_specs=[
        pl.BlockSpec((NC, BM_OUT, D), lambda i: (0, i, 0)),
        pl.BlockSpec((BM_OUT, D), lambda i: (i, 0)),
        pl.BlockSpec((BM_OUT, 1), lambda i: (i, 0)),
        pl.BlockSpec((1, D), lambda i: (0, 0)),
    ],
    out_specs=pl.BlockSpec((BM_OUT, D), lambda i: (i, 0)),
    out_shape=jax.ShapeDtypeStruct((N, D), jnp.float32),
)



def kernel(x, edge_index, W0, b0, W1, b1):
    src = edge_index[0].astype(jnp.int32)
    dst = edge_index[1].astype(jnp.int32)
    pad = N + (jnp.arange(E_PAD - E, dtype=jnp.int32) % (N_PAD - N))
    src_p = jnp.concatenate([src, pad]).reshape(E_PAD // CHUNK, CHUNK)
    dst_p = jnp.concatenate([dst, pad]).reshape(E_PAD // CHUNK, CHUNK)

    x_pad = jnp.zeros((N_PAD, D), jnp.float32).at[:N].set(x)
    zeros = jnp.zeros((N_PAD, D), jnp.float32)
    ones = jnp.ones((CHUNK, D), jnp.float32)

    degp = _deg_partials(dst_p, ones, zeros)
    h0 = _matmul(x_pad, W0)
    g0, dinv = _prep(degp, h0)
    p1 = _edge_partials(g0, src_p, dst_p, zeros)
    g1 = _layer(p1, g0, dinv, b0.reshape(1, D), W1)
    p2 = _edge_partials(g1, src_p, dst_p, zeros)
    return _final(p2, g1, dinv, b1.reshape(1, D))

# --- scband reference (transcript-rebuilt; emitter-appended) ---
"""Pipeline reference for scband-encoder-76398878261379 (READ-ONLY COPY).

The authoritative reference and input builder live on the scoring server;
editing this copy changes nothing except your own understanding.
"""

import jax, jax.numpy as jnp
import numpy as np

N = 10000
E = 320000
D = 128


def setup_inputs(seed: int = 0) -> dict:
    key = jax.random.key(seed)
    k1, k2, k3, k4, k5, k6 = jax.random.split(key, 6)
    x = jax.random.normal(k1, (N, D), dtype=jnp.float32)
    edge_index = jax.random.randint(k2, (2, E), 0, N)
    W0 = jax.random.normal(k3, (D, D), dtype=jnp.float32) * 0.05
    b0 = jnp.zeros((D,), dtype=jnp.float32)
    W1 = jax.random.normal(k4, (D, D), dtype=jnp.float32) * 0.05
    b1 = jnp.zeros((D,), dtype=jnp.float32)
    return {"x": x, "edge_index": edge_index, "W0": W0, "b0": b0, "W1": W1, "b1": b1}


def _gcn_layer(x, edge_index, W, b):
    n = x.shape[0]
    loop = jnp.arange(n, dtype=edge_index.dtype)
    src = jnp.concatenate([edge_index[0], loop])
    dst = jnp.concatenate([edge_index[1], loop])
    # symmetric normalization D^{-1/2} A D^{-1/2} with self-loops (GCNConv default)
    deg = jnp.zeros((n,), x.dtype).at[dst].add(1.0)
    dinv = jnp.where(deg > 0, jax.lax.rsqrt(jnp.maximum(deg, 1e-12)), 0.0)
    norm = dinv[src] * dinv[dst]
    h = x @ W
    msg = h[src] * norm[:, None]
    out = jnp.zeros_like(h).at[dst].add(msg)
    return out + b


def reference(x, edge_index, W0, b0, W1, b1):
    # Encoder.forward: k=2 message-passing layers, each followed by act (relu)
    h = jax.nn.relu(_gcn_layer(x, edge_index, W0, b0))
    h = jax.nn.relu(_gcn_layer(h, edge_index, W1, b1))
    return h

if __name__ == "__main__":
    import jax
    _d = setup_inputs()
    print(jax.jit(kernel)(*tuple(_d.values())))

</pallas_src>

<mosaic_0001>
#map = affine_map<(d0, d1) -> (0, 0)>
#map1 = affine_map<(d0, d1) -> (0, 0, 0)>
module attributes {stable_mosaic.version = 14 : i64} {
  func.func @_deg_partials(%arg0: i32, %arg1: i32, %arg2: memref<2560x128xi32, #tpu.memory_space<hbm>>, %arg3: memref<128x128xf32, #tpu.memory_space<hbm>>, %arg4: memref<10240x128xf32, #tpu.memory_space<hbm>>, %arg5: memref<2x10240x128xf32, #tpu.memory_space<hbm>>, %arg6: memref<128x128xf32, #tpu.memory_space<vmem>>, %arg7: memref<80x128xi32, #tpu.memory_space<vmem>>, %arg8: memref<10240x128xf32, #tpu.memory_space<vmem_shared>>, %arg9: memref<!tpu.dma_semaphore, #tpu.memory_space<semaphore_mem>>) attributes {dimension_semantics = [#tpu.dimension_semantics<core_parallel>, #tpu.dimension_semantics<subcore_parallel>], iteration_bounds = array<i64: 2, 16>, scalar_prefetch = 0 : i64, scratch_operands = 4 : i64, tpu.core_type = #tpu.core_type<sc_vector_subcore>, window_params = [{transform_indices = #map}, {transform_indices = #map}, {transform_indices = #map}, {transform_indices = #map1}]} {
    %mul3A = arith.constant 2 : i32
    %mul3A_0 = arith.muli %arg1, %mul3A : i32
    %add3A = arith.addi %mul3A_0, %arg0 : i32
    "tpu.region"() ({
      %run_scoped3A = tpu.sem_alloc : memref<!tpu.dma_semaphore, #tpu.memory_space<semaphore_mem>>
      tpu.enqueue_dma source(%arg3 : memref<128x128xf32, #tpu.memory_space<hbm>>) target(%arg6 : memref<128x128xf32, #tpu.memory_space<vmem>>) target_semaphore(%run_scoped3A : memref<!tpu.dma_semaphore, #tpu.memory_space<semaphore_mem>>)
      tpu.wait_dma2 semaphore(%run_scoped3A : memref<!tpu.dma_semaphore, #tpu.memory_space<semaphore_mem>>) src(%arg3 : memref<128x128xf32, #tpu.memory_space<hbm>>) dst(%arg6 : memref<128x128xf32, #tpu.memory_space<vmem>>)
      tpu.yield
    }) : () -> ()
    %mul3A_1 = arith.constant 640 : i32
    %mul3A_2 = arith.muli %arg1, %mul3A_1 : i32
    %mul3A_3 = arith.constant 640 : i32
    %mul3A_4 = arith.muli %arg1, %mul3A_3 : i32
    "tpu.region"() ({
      %run_scoped3A = tpu.sem_alloc : memref<!tpu.dma_semaphore, #tpu.memory_space<semaphore_mem>>
      %dma_start3A = arith.constant 0 : i32
      %dma_start3A_16 = tpu.memref_slice %arg8[%mul3A_4, %dma_start3A] : memref<10240x128xf32, #tpu.memory_space<vmem_shared>> -> memref<640x128xf32, #tpu.memory_space<vmem_shared>>
      %dma_start3A_17 = arith.constant 0 : i32
      %dma_start3A_18 = tpu.memref_slice %arg4[%mul3A_2, %dma_start3A_17] : memref<10240x128xf32, #tpu.memory_space<hbm>> -> memref<640x128xf32, #tpu.memory_space<hbm>>
      tpu.enqueue_dma source(%dma_start3A_18 : memref<640x128xf32, #tpu.memory_space<hbm>>) target(%dma_start3A_16 : memref<640x128xf32, #tpu.memory_space<vmem_shared>>) target_semaphore(%run_scoped3A : memref<!tpu.dma_semaphore, #tpu.memory_space<semaphore_mem>>)
      %dma_wait3A = arith.constant 0 : i32
      %dma_wait3A_19 = tpu.memref_slice %arg8[%mul3A_4, %dma_wait3A] : memref<10240x128xf32, #tpu.memory_space<vmem_shared>> -> memref<640x128xf32, #tpu.memory_space<vmem_shared>>
      %dma_wait3A_20 = arith.constant 0 : i32
      %dma_wait3A_21 = tpu.memref_slice %arg4[%mul3A_2, %dma_wait3A_20] : memref<10240x128xf32, #tpu.memory_space<hbm>> -> memref<640x128xf32, #tpu.memory_space<hbm>>
      tpu.wait_dma2 semaphore(%run_scoped3A : memref<!tpu.dma_semaphore, #tpu.memory_space<semaphore_mem>>) src(%dma_wait3A_21 : memref<640x128xf32, #tpu.memory_space<hbm>>) dst(%dma_wait3A_19 : memref<640x128xf32, #tpu.memory_space<vmem_shared>>)
      tpu.yield
    }) : () -> ()
    %mul3A_5 = arith.constant 80 : i32
    %mul3A_6 = arith.muli %add3A, %mul3A_5 : i32
    "tpu.region"() ({
      %run_scoped3A = tpu.sem_alloc : memref<!tpu.dma_semaphore, #tpu.memory_space<semaphore_mem>>
      %dma_start3A = arith.constant 0 : i32
      %dma_start3A_16 = tpu.memref_slice %arg2[%mul3A_6, %dma_start3A] : memref<2560x128xi32, #tpu.memory_space<hbm>> -> memref<80x128xi32, #tpu.memory_space<hbm>>
      %dma_start3A_17 = arith.constant 0 : i32
      %dma_start3A_18 = tpu.memref_slice %arg2[%mul3A_6, %dma_start3A_17] : memref<2560x128xi32, #tpu.memory_space<hbm>> -> memref<80x128xi32, #tpu.memory_space<hbm>>
      tpu.enqueue_dma source(%dma_start3A_18 : memref<80x128xi32, #tpu.memory_space<hbm>>) target(%arg7 : memref<80x128xi32, #tpu.memory_space<vmem>>) target_semaphore(%run_scoped3A : memref<!tpu.dma_semaphore, #tpu.memory_space<semaphore_mem>>)
      %dma_wait3A = arith.constant 0 : i32
      %dma_wait3A_19 = tpu.memref_slice %arg2[%mul3A_6, %dma_wait3A] : memref<2560x128xi32, #tpu.memory_space<hbm>> -> memref<80x128xi32, #tpu.memory_space<hbm>>
      %dma_wait3A_20 = arith.constant 0 : i32
      %dma_wait3A_21 = tpu.memref_slice %arg2[%mul3A_6, %dma_wait3A_20] : memref<2560x128xi32, #tpu.memory_space<hbm>> -> memref<80x128xi32, #tpu.memory_space<hbm>>
      tpu.wait_dma2 semaphore(%run_scoped3A : memref<!tpu.dma_semaphore, #tpu.memory_space<semaphore_mem>>) src(%dma_wait3A_21 : memref<80x128xi32, #tpu.memory_space<hbm>>) dst(%arg7 : memref<80x128xi32, #tpu.memory_space<vmem>>)
      tpu.yield
    }) : () -> ()
    %barrier3A = arith.constant 0 : index
    tpu.barrier barrier_id(%barrier3A)
    %scan3A = arith.constant 0 : i32
    %scan3A_7 = arith.constant 80 : i32
    %scan3A_8 = arith.addi %scan3A, %scan3A_7 : i32
    %scan3A_9 = arith.constant 1 : i32
    scf.for %scan3A_16 = %scan3A to %scan3A_8 step %scan3A_9  : i32 {
      %mul3A_17 = arith.constant 1 : i32
      %mul3A_18 = arith.muli %scan3A_16, %mul3A_17 : i32
      %add3A_19 = arith.constant 0 : i32
      %add3A_20 = arith.addi %add3A_19, %mul3A_18 : i32
      "tpu.region"() ({
        %run_scoped3A = tpu.sem_alloc : memref<!tpu.dma_semaphore, #tpu.memory_space<semaphore_mem>>
        %dma_start3A = arith.constant 0 : i32
        %dma_start3A_21 = tpu.memref_slice %arg7[%add3A_20, %dma_start3A] : memref<80x128xi32, #tpu.memory_space<vmem>> -> memref<1x128xi32, #tpu.memory_space<vmem>>
        %dma_start3A_22 = tpu.memref_squeeze %dma_start3A_21 : memref<1x128xi32, #tpu.memory_space<vmem>> -> memref<128xi32, #tpu.memory_space<vmem>>
        %dma_start3A_23 = arith.constant 0 : i32
        %dma_start3A_24 = arith.constant 0 : i32
        %dma_start3A_25 = tpu.memref_slice %arg8[%dma_start3A_23, %dma_start3A_24] : memref<10240x128xf32, #tpu.memory_space<vmem_shared>> -> memref<10240x128xf32, #tpu.memory_space<vmem_shared>>
        tpu.enqueue_indirect_dma source(%arg6 : memref<128x128xf32, #tpu.memory_space<vmem>>) target(%dma_start3A_25 : memref<10240x128xf32, #tpu.memory_space<vmem_shared>>) offsets(%dma_start3A_22 : memref<128xi32, #tpu.memory_space<vmem>>) semaphore(%run_scoped3A : memref<!tpu.dma_semaphore, #tpu.memory_space<semaphore_mem>>) {add = true}
        %dma_wait3A = arith.constant 0 : i32
        %dma_wait3A_26 = tpu.memref_slice %arg7[%add3A_20, %dma_wait3A] : memref<80x128xi32, #tpu.memory_space<vmem>> -> memref<1x128xi32, #tpu.memory_space<vmem>>
        %dma_wait3A_27 = tpu.memref_squeeze %dma_wait3A_26 : memref<1x128xi32, #tpu.memory_space<vmem>> -> memref<128xi32, #tpu.memory_space<vmem>>
        %dma_wait3A_28 = arith.constant 0 : i32
        %dma_wait3A_29 = arith.constant 0 : i32
        %dma_wait3A_30 = tpu.memref_slice %arg8[%dma_wait3A_28, %dma_wait3A_29] : memref<10240x128xf32, #tpu.memory_space<vmem_shared>> -> memref<10240x128xf32, #tpu.memory_space<vmem_shared>>
        tpu.wait_indirect_dma semaphore(%run_scoped3A : memref<!tpu.dma_semaphore, #tpu.memory_space<semaphore_mem>>) src(%arg6 : memref<128x128xf32, #tpu.memory_space<vmem>>) dst(%dma_wait3A_30 : memref<10240x128xf32, #tpu.memory_space<vmem_shared>>)
        tpu.yield
      }) : () -> ()
    }
    %scan3A_10 = arith.constant 80 : i32
    %barrier3A_11 = arith.constant 0 : index
    tpu.barrier barrier_id(%barrier3A_11)
    %mul3A_12 = arith.constant 640 : i32
    %mul3A_13 = arith.muli %arg1, %mul3A_12 : i32
    %mul3A_14 = arith.constant 640 : i32
    %mul3A_15 = arith.muli %arg1, %mul3A_14 : i32
    "tpu.region"() ({
      %run_scoped3A = tpu.sem_alloc : memref<!tpu.dma_semaphore, #tpu.memory_space<semaphore_mem>>
      %dma_start3A = arith.constant 0 : i32
      %dma_start3A_16 = arith.constant 0 : i32
      %dma_start3A_17 = tpu.memref_slice %arg5[%arg0, %dma_start3A, %dma_start3A_16] : memref<2x10240x128xf32, #tpu.memory_space<hbm>> -> memref<1x10240x128xf32, #tpu.memory_space<hbm>>
      %dma_start3A_18 = tpu.memref_squeeze %dma_start3A_17 : memref<1x10240x128xf32, #tpu.memory_space<hbm>> -> memref<10240x128xf32, #tpu.memory_space<hbm>>
      %dma_start3A_19 = arith.constant 0 : i32
      %dma_start3A_20 = tpu.memref_slice %dma_start3A_18[%mul3A_15, %dma_start3A_19] : memref<10240x128xf32, #tpu.memory_space<hbm>> -> memref<640x128xf32, #tpu.memory_space<hbm>>
      %dma_start3A_21 = arith.constant 0 : i32
      %dma_start3A_22 = tpu.memref_slice %arg8[%mul3A_13, %dma_start3A_21] : memref<10240x128xf32, #tpu.memory_space<vmem_shared>> -> memref<640x128xf32, #tpu.memory_space<vmem_shared>>
      tpu.enqueue_dma source(%dma_start3A_22 : memref<640x128xf32, #tpu.memory_space<vmem_shared>>) target(%dma_start3A_20 : memref<640x128xf32, #tpu.memory_space<hbm>>) target_semaphore(%run_scoped3A : memref<!tpu.dma_semaphore, #tpu.memory_space<semaphore_mem>>)
      %dma_wait3A = arith.constant 0 : i32
      %dma_wait3A_23 = arith.constant 0 : i32
      %dma_wait3A_24 = tpu.memref_slice %arg5[%arg0, %dma_wait3A, %dma_wait3A_23] : memref<2x10240x128xf32, #tpu.memory_space<hbm>> -> memref<1x10240x128xf32, #tpu.memory_space<hbm>>
      %dma_wait3A_25 = tpu.memref_squeeze %dma_wait3A_24 : memref<1x10240x128xf32, #tpu.memory_space<hbm>> -> memref<10240x128xf32, #tpu.memory_space<hbm>>
      %dma_wait3A_26 = arith.constant 0 : i32
      %dma_wait3A_27 = tpu.memref_slice %dma_wait3A_25[%mul3A_15, %dma_wait3A_26] : memref<10240x128xf32, #tpu.memory_space<hbm>> -> memref<640x128xf32, #tpu.memory_space<hbm>>
      %dma_wait3A_28 = arith.constant 0 : i32
      %dma_wait3A_29 = tpu.memref_slice %arg8[%mul3A_13, %dma_wait3A_28] : memref<10240x128xf32, #tpu.memory_space<vmem_shared>> -> memref<640x128xf32, #tpu.memory_space<vmem_shared>>
      tpu.wait_dma2 semaphore(%run_scoped3A : memref<!tpu.dma_semaphore, #tpu.memory_space<semaphore_mem>>) src(%dma_wait3A_29 : memref<640x128xf32, #tpu.memory_space<vmem_shared>>) dst(%dma_wait3A_27 : memref<640x128xf32, #tpu.memory_space<hbm>>)
      tpu.yield
    }) : () -> ()
    return
  }
}

#map = affine_map<(d0, d1) -> (0, 0)>
#map1 = affine_map<(d0, d1) -> (0, 0, 0)>
module attributes {stable_mosaic.version = 14 : i64} {
  func.func @_edge_partials(%arg0: i32, %arg1: i32, %arg2: memref<10240x128xf32, #tpu.memory_space<hbm>>, %arg3: memref<2560x128xi32, #tpu.memory_space<hbm>>, %arg4: memref<2560x128xi32, #tpu.memory_space<hbm>>, %arg5: memref<10240x128xf32, #tpu.memory_space<hbm>>, %arg6: memref<2x10240x128xf32, #tpu.memory_space<hbm>>, %arg7: memref<40x128xi32, #tpu.memory_space<vmem>>, %arg8: memref<40x128xi32, #tpu.memory_space<vmem>>, %arg9: memref<2x128x128xf32, #tpu.memory_space<vmem>>, %arg10: memref<10240x128xf32, #tpu.memory_space<vmem_shared>>, %arg11: memref<!tpu.dma_semaphore, #tpu.memory_space<semaphore_mem>>, %arg12: memref<!tpu.dma_semaphore, #tpu.memory_space<semaphore_mem>>) attributes {dimension_semantics = [#tpu.dimension_semantics<core_parallel>, #tpu.dimension_semantics<subcore_parallel>], iteration_bounds = array<i64: 2, 16>, scalar_prefetch = 0 : i64, scratch_operands = 6 : i64, tpu.core_type = #tpu.core_type<sc_vector_subcore>, window_params = [{transform_indices = #map}, {transform_indices = #map}, {transform_indices = #map}, {transform_indices = #map}, {transform_indices = #map1}]} {
    %mul3A = arith.constant 2 : i32
    %mul3A_0 = arith.muli %arg1, %mul3A : i32
    %add3A = arith.addi %mul3A_0, %arg0 : i32
    %mul3A_1 = arith.constant 640 : i32
    %mul3A_2 = arith.muli %arg1, %mul3A_1 : i32
    %mul3A_3 = arith.constant 640 : i32
    %mul3A_4 = arith.muli %arg1, %mul3A_3 : i32
    "tpu.region"() ({
      %run_scoped3A = tpu.sem_alloc : memref<!tpu.dma_semaphore, #tpu.memory_space<semaphore_mem>>
      %dma_start3A = arith.constant 0 : i32
      %dma_start3A_35 = tpu.memref_slice %arg10[%mul3A_4, %dma_start3A] : memref<10240x128xf32, #tpu.memory_space<vmem_shared>> -> memref<640x128xf32, #tpu.memory_space<vmem_shared>>
      %dma_start3A_36 = arith.constant 0 : i32
      %dma_start3A_37 = tpu.memref_slice %arg5[%mul3A_2, %dma_start3A_36] : memref<10240x128xf32, #tpu.memory_space<hbm>> -> memref<640x128xf32, #tpu.memory_space<hbm>>
      tpu.enqueue_dma source(%dma_start3A_37 : memref<640x128xf32, #tpu.memory_space<hbm>>) target(%dma_start3A_35 : memref<640x128xf32, #tpu.memory_space<vmem_shared>>) target_semaphore(%run_scoped3A : memref<!tpu.dma_semaphore, #tpu.memory_space<semaphore_mem>>)
      %dma_wait3A = arith.constant 0 : i32
      %dma_wait3A_38 = tpu.memref_slice %arg10[%mul3A_4, %dma_wait3A] : memref<10240x128xf32, #tpu.memory_space<vmem_shared>> -> memref<640x128xf32, #tpu.memory_space<vmem_shared>>
      %dma_wait3A_39 = arith.constant 0 : i32
      %dma_wait3A_40 = tpu.memref_slice %arg5[%mul3A_2, %dma_wait3A_39] : memref<10240x128xf32, #tpu.memory_space<hbm>> -> memref<640x128xf32, #tpu.memory_space<hbm>>
      tpu.wait_dma2 semaphore(%run_scoped3A : memref<!tpu.dma_semaphore, #tpu.memory_space<semaphore_mem>>) src(%dma_wait3A_40 : memref<640x128xf32, #tpu.memory_space<hbm>>) dst(%dma_wait3A_38 : memref<640x128xf32, #tpu.memory_space<vmem_shared>>)
      tpu.yield
    }) : () -> ()
    %barrier3A = arith.constant 0 : index
    tpu.barrier barrier_id(%barrier3A)
    %mul3A_5 = arith.constant 80 : i32
    %mul3A_6 = arith.muli %add3A, %mul3A_5 : i32
    %add3A_7 = arith.constant 0 : i32
    %add3A_8 = arith.addi %mul3A_6, %add3A_7 : i32
    "tpu.region"() ({
      %run_scoped3A = tpu.sem_alloc : memref<!tpu.dma_semaphore, #tpu.memory_space<semaphore_mem>>
      %dma_start3A = arith.constant 0 : i32
      %dma_start3A_35 = tpu.memref_slice %arg3[%add3A_8, %dma_start3A] : memref<2560x128xi32, #tpu.memory_space<hbm>> -> memref<40x128xi32, #tpu.memory_space<hbm>>
      %dma_start3A_36 = arith.constant 0 : i32
      %dma_start3A_37 = tpu.memref_slice %arg3[%add3A_8, %dma_start3A_36] : memref<2560x128xi32, #tpu.memory_space<hbm>> -> memref<40x128xi32, #tpu.memory_space<hbm>>
      tpu.enqueue_dma source(%dma_start3A_37 : memref<40x128xi32, #tpu.memory_space<hbm>>) target(%arg7 : memref<40x128xi32, #tpu.memory_space<vmem>>) target_semaphore(%run_scoped3A : memref<!tpu.dma_semaphore, #tpu.memory_space<semaphore_mem>>)
      %dma_wait3A = arith.constant 0 : i32
      %dma_wait3A_38 = tpu.memref_slice %arg3[%add3A_8, %dma_wait3A] : memref<2560x128xi32, #tpu.memory_space<hbm>> -> memref<40x128xi32, #tpu.memory_space<hbm>>
      %dma_wait3A_39 = arith.constant 0 : i32
      %dma_wait3A_40 = tpu.memref_slice %arg3[%add3A_8, %dma_wait3A_39] : memref<2560x128xi32, #tpu.memory_space<hbm>> -> memref<40x128xi32, #tpu.memory_space<hbm>>
      tpu.wait_dma2 semaphore(%run_scoped3A : memref<!tpu.dma_semaphore, #tpu.memory_space<semaphore_mem>>) src(%dma_wait3A_40 : memref<40x128xi32, #tpu.memory_space<hbm>>) dst(%arg7 : memref<40x128xi32, #tpu.memory_space<vmem>>)
      tpu.yield
    }) : () -> ()
    %mul3A_9 = arith.constant 80 : i32
    %mul3A_10 = arith.muli %add3A, %mul3A_9 : i32
    %add3A_11 = arith.constant 0 : i32
    %add3A_12 = arith.addi %mul3A_10, %add3A_11 : i32
    "tpu.region"() ({
      %run_scoped3A = tpu.sem_alloc : memref<!tpu.dma_semaphore, #tpu.memory_space<semaphore_mem>>
      %dma_start3A = arith.constant 0 : i32
      %dma_start3A_35 = tpu.memref_slice %arg4[%add3A_12, %dma_start3A] : memref<2560x128xi32, #tpu.memory_space<hbm>> -> memref<40x128xi32, #tpu.memory_space<hbm>>
      %dma_start3A_36 = arith.constant 0 : i32
      %dma_start3A_37 = tpu.memref_slice %arg4[%add3A_12, %dma_start3A_36] : memref<2560x128xi32, #tpu.memory_space<hbm>> -> memref<40x128xi32, #tpu.memory_space<hbm>>
      tpu.enqueue_dma source(%dma_start3A_37 : memref<40x128xi32, #tpu.memory_space<hbm>>) target(%arg8 : memref<40x128xi32, #tpu.memory_space<vmem>>) target_semaphore(%run_scoped3A : memref<!tpu.dma_semaphore, #tpu.memory_space<semaphore_mem>>)
      %dma_wait3A = arith.constant 0 : i32
      %dma_wait3A_38 = tpu.memref_slice %arg4[%add3A_12, %dma_wait3A] : memref<2560x128xi32, #tpu.memory_space<hbm>> -> memref<40x128xi32, #tpu.memory_space<hbm>>
      %dma_wait3A_39 = arith.constant 0 : i32
      %dma_wait3A_40 = tpu.memref_slice %arg4[%add3A_12, %dma_wait3A_39] : memref<2560x128xi32, #tpu.memory_space<hbm>> -> memref<40x128xi32, #tpu.memory_space<hbm>>
      tpu.wait_dma2 semaphore(%run_scoped3A : memref<!tpu.dma_semaphore, #tpu.memory_space<semaphore_mem>>) src(%dma_wait3A_40 : memref<40x128xi32, #tpu.memory_space<hbm>>) dst(%arg8 : memref<40x128xi32, #tpu.memory_space<vmem>>)
      tpu.yield
    }) : () -> ()
    %scan3A = arith.constant 0 : i32
    %scan3A_13 = arith.constant 40 : i32
    %scan3A_14 = arith.addi %scan3A, %scan3A_13 : i32
    %scan3A_15 = arith.constant 1 : i32
    scf.for %scan3A_35 = %scan3A to %scan3A_14 step %scan3A_15  : i32 {
      %mul3A_36 = arith.constant 1 : i32
      %mul3A_37 = arith.muli %scan3A_35, %mul3A_36 : i32
      %add3A_38 = arith.constant 0 : i32
      %add3A_39 = arith.addi %add3A_38, %mul3A_37 : i32
      %run_scoped3A = arith.constant 0 : i32
      "tpu.region"() ({
        %run_scoped3A_41 = tpu.sem_alloc : memref<!tpu.dma_semaphore, #tpu.memory_space<semaphore_mem>>
        %dma_start3A = arith.constant 0 : i32
        %dma_start3A_42 = arith.constant 0 : i32
        %dma_start3A_43 = tpu.memref_slice %arg9[%run_scoped3A, %dma_start3A, %dma_start3A_42] : memref<2x128x128xf32, #tpu.memory_space<vmem>> -> memref<1x128x128xf32, #tpu.memory_space<vmem>>
        %dma_start3A_44 = tpu.memref_squeeze %dma_start3A_43 : memref<1x128x128xf32, #tpu.memory_space<vmem>> -> memref<128x128xf32, #tpu.memory_space<vmem>>
        %dma_start3A_45 = arith.constant 0 : i32
        %dma_start3A_46 = tpu.memref_slice %arg7[%add3A_39, %dma_start3A_45] : memref<40x128xi32, #tpu.memory_space<vmem>> -> memref<1x128xi32, #tpu.memory_space<vmem>>
        %dma_start3A_47 = tpu.memref_squeeze %dma_start3A_46 : memref<1x128xi32, #tpu.memory_space<vmem>> -> memref<128xi32, #tpu.memory_space<vmem>>
        %dma_start3A_48 = arith.constant 0 : i32
        %dma_start3A_49 = arith.constant 0 : i32
        %dma_start3A_50 = tpu.memref_slice %arg2[%dma_start3A_48, %dma_start3A_49] : memref<10240x128xf32, #tpu.memory_space<hbm>> -> memref<10240x128xf32, #tpu.memory_space<hbm>>
        tpu.enqueue_indirect_dma source(%dma_start3A_50 : memref<10240x128xf32, #tpu.memory_space<hbm>>) target(%dma_start3A_44 : memref<128x128xf32, #tpu.memory_space<vmem>>) offsets(%dma_start3A_47 : memref<128xi32, #tpu.memory_space<vmem>>) semaphore(%run_scoped3A_41 : memref<!tpu.dma_semaphore, #tpu.memory_space<semaphore_mem>>)
        %dma_wait3A = arith.constant 0 : i32
        %dma_wait3A_51 = arith.constant 0 : i32
        %dma_wait3A_52 = tpu.memref_slice %arg9[%run_scoped3A, %dma_wait3A, %dma_wait3A_51] : memref<2x128x128xf32, #tpu.memory_space<vmem>> -> memref<1x128x128xf32, #tpu.memory_space<vmem>>
        %dma_wait3A_53 = tpu.memref_squeeze %dma_wait3A_52 : memref<1x128x128xf32, #tpu.memory_space<vmem>> -> memref<128x128xf32, #tpu.memory_space<vmem>>
        %dma_wait3A_54 = arith.constant 0 : i32
        %dma_wait3A_55 = tpu.memref_slice %arg7[%add3A_39, %dma_wait3A_54] : memref<40x128xi32, #tpu.memory_space<vmem>> -> memref<1x128xi32, #tpu.memory_space<vmem>>
        %dma_wait3A_56 = tpu.memref_squeeze %dma_wait3A_55 : memref<1x128xi32, #tpu.memory_space<vmem>> -> memref<128xi32, #tpu.memory_space<vmem>>
        %dma_wait3A_57 = arith.constant 0 : i32
        %dma_wait3A_58 = arith.constant 0 : i32
        %dma_wait3A_59 = tpu.memref_slice %arg2[%dma_wait3A_57, %dma_wait3A_58] : memref<10240x128xf32, #tpu.memory_space<hbm>> -> memref<10240x128xf32, #tpu.memory_space<hbm>>
        tpu.wait_indirect_dma semaphore(%run_scoped3A_41 : memref<!tpu.dma_semaphore, #tpu.memory_space<semaphore_mem>>) src(%dma_wait3A_59 : memref<10240x128xf32, #tpu.memory_space<hbm>>) dst(%dma_wait3A_53 : memref<128x128xf32, #tpu.memory_space<vmem>>)
        tpu.yield
      }) : () -> ()
      %run_scoped3A_40 = arith.constant 0 : i32
      "tpu.region"() ({
        %run_scoped3A_41 = tpu.sem_alloc : memref<!tpu.dma_semaphore, #tpu.memory_space<semaphore_mem>>
        %dma_start3A = arith.constant 0 : i32
        %dma_start3A_42 = arith.constant 0 : i32
        %dma_start3A_43 = tpu.memref_slice %arg9[%run_scoped3A_40, %dma_start3A, %dma_start3A_42] : memref<2x128x128xf32, #tpu.memory_space<vmem>> -> memref<1x128x128xf32, #tpu.memory_space<vmem>>
        %dma_start3A_44 = tpu.memref_squeeze %dma_start3A_43 : memref<1x128x128xf32, #tpu.memory_space<vmem>> -> memref<128x128xf32, #tpu.memory_space<vmem>>
        %dma_start3A_45 = arith.constant 0 : i32
        %dma_start3A_46 = tpu.memref_slice %arg8[%add3A_39, %dma_start3A_45] : memref<40x128xi32, #tpu.memory_space<vmem>> -> memref<1x128xi32, #tpu.memory_space<vmem>>
        %dma_start3A_47 = tpu.memref_squeeze %dma_start3A_46 : memref<1x128xi32, #tpu.memory_space<vmem>> -> memref<128xi32, #tpu.memory_space<vmem>>
        %dma_start3A_48 = arith.constant 0 : i32
        %dma_start3A_49 = arith.constant 0 : i32
        %dma_start3A_50 = tpu.memref_slice %arg10[%dma_start3A_48, %dma_start3A_49] : memref<10240x128xf32, #tpu.memory_space<vmem_shared>> -> memref<10240x128xf32, #tpu.memory_space<vmem_shared>>
        tpu.enqueue_indirect_dma source(%dma_start3A_44 : memref<128x128xf32, #tpu.memory_space<vmem>>) target(%dma_start3A_50 : memref<10240x128xf32, #tpu.memory_space<vmem_shared>>) offsets(%dma_start3A_47 : memref<128xi32, #tpu.memory_space<vmem>>) semaphore(%run_scoped3A_41 : memref<!tpu.dma_semaphore, #tpu.memory_space<semaphore_mem>>) {add = true}
        %dma_wait3A = arith.constant 0 : i32
        %dma_wait3A_51 = arith.constant 0 : i32
        %dma_wait3A_52 = tpu.memref_slice %arg9[%run_scoped3A_40, %dma_wait3A, %dma_wait3A_51] : memref<2x128x128xf32, #tpu.memory_space<vmem>> -> memref<1x128x128xf32, #tpu.memory_space<vmem>>
        %dma_wait3A_53 = tpu.memref_squeeze %dma_wait3A_52 : memref<1x128x128xf32, #tpu.memory_space<vmem>> -> memref<128x128xf32, #tpu.memory_space<vmem>>
        %dma_wait3A_54 = arith.constant 0 : i32
        %dma_wait3A_55 = tpu.memref_slice %arg8[%add3A_39, %dma_wait3A_54] : memref<40x128xi32, #tpu.memory_space<vmem>> -> memref<1x128xi32, #tpu.memory_space<vmem>>
        %dma_wait3A_56 = tpu.memref_squeeze %dma_wait3A_55 : memref<1x128xi32, #tpu.memory_space<vmem>> -> memref<128xi32, #tpu.memory_space<vmem>>
        %dma_wait3A_57 = arith.constant 0 : i32
        %dma_wait3A_58 = arith.constant 0 : i32
        %dma_wait3A_59 = tpu.memref_slice %arg10[%dma_wait3A_57, %dma_wait3A_58] : memref<10240x128xf32, #tpu.memory_space<vmem_shared>> -> memref<10240x128xf32, #tpu.memory_space<vmem_shared>>
        tpu.wait_indirect_dma semaphore(%run_scoped3A_41 : memref<!tpu.dma_semaphore, #tpu.memory_space<semaphore_mem>>) src(%dma_wait3A_53 : memref<128x128xf32, #tpu.memory_space<vmem>>) dst(%dma_wait3A_59 : memref<10240x128xf32, #tpu.memory_space<vmem_shared>>)
        tpu.yield
      }) : () -> ()
    }
    %scan3A_16 = arith.constant 40 : i32
    %mul3A_17 = arith.constant 80 : i32
    %mul3A_18 = arith.muli %add3A, %mul3A_17 : i32
    %add3A_19 = arith.constant 40 : i32
    %add3A_20 = arith.addi %mul3A_18, %add3A_19 : i32
    "tpu.region"() ({
      %run_scoped3A = tpu.sem_alloc : memref<!tpu.dma_semaphore, #tpu.memory_space<semaphore_mem>>
      %dma_start3A = arith.constant 0 : i32
      %dma_start3A_35 = tpu.memref_slice %arg3[%add3A_20, %dma_start3A] : memref<2560x128xi32, #tpu.memory_space<hbm>> -> memref<40x128xi32, #tpu.memory_space<hbm>>
      %dma_start3A_36 = arith.constant 0 : i32
      %dma_start3A_37 = tpu.memref_slice %arg3[%add3A_20, %dma_start3A_36] : memref<2560x128xi32, #tpu.memory_space<hbm>> -> memref<40x128xi32, #tpu.memory_space<hbm>>
      tpu.enqueue_dma source(%dma_start3A_37 : memref<40x128xi32, #tpu.memory_space<hbm>>) target(%arg7 : memref<40x128xi32, #tpu.memory_space<vmem>>) target_semaphore(%run_scoped3A : memref<!tpu.dma_semaphore, #tpu.memory_space<semaphore_mem>>)
      %dma_wait3A = arith.constant 0 : i32
      %dma_wait3A_38 = tpu.memref_slice %arg3[%add3A_20, %dma_wait3A] : memref<2560x128xi32, #tpu.memory_space<hbm>> -> memref<40x128xi32, #tpu.memory_space<hbm>>
      %dma_wait3A_39 = arith.constant 0 : i32
      %dma_wait3A_40 = tpu.memref_slice %arg3[%add3A_20, %dma_wait3A_39] : memref<2560x128xi32, #tpu.memory_space<hbm>> -> memref<40x128xi32, #tpu.memory_space<hbm>>
      tpu.wait_dma2 semaphore(%run_scoped3A : memref<!tpu.dma_semaphore, #tpu.memory_space<semaphore_mem>>) src(%dma_wait3A_40 : memref<40x128xi32, #tpu.memory_space<hbm>>) dst(%arg7 : memref<40x128xi32, #tpu.memory_space<vmem>>)
      tpu.yield
    }) : () -> ()
    %mul3A_21 = arith.constant 80 : i32
    %mul3A_22 = arith.muli %add3A, %mul3A_21 : i32
    %add3A_23 = arith.constant 40 : i32
    %add3A_24 = arith.addi %mul3A_22, %add3A_23 : i32
    "tpu.region"() ({
      %run_scoped3A = tpu.sem_alloc : memref<!tpu.dma_semaphore, #tpu.memory_space<semaphore_mem>>
      %dma_start3A = arith.constant 0 : i32
      %dma_start3A_35 = tpu.memref_slice %arg4[%add3A_24, %dma_start3A] : memref<2560x128xi32, #tpu.memory_space<hbm>> -> memref<40x128xi32, #tpu.memory_space<hbm>>
      %dma_start3A_36 = arith.constant 0 : i32
      %dma_start3A_37 = tpu.memref_slice %arg4[%add3A_24, %dma_start3A_36] : memref<2560x128xi32, #tpu.memory_space<hbm>> -> memref<40x128xi32, #tpu.memory_space<hbm>>
      tpu.enqueue_dma source(%dma_start3A_37 : memref<40x128xi32, #tpu.memory_space<hbm>>) target(%arg8 : memref<40x128xi32, #tpu.memory_space<vmem>>) target_semaphore(%run_scoped3A : memref<!tpu.dma_semaphore, #tpu.memory_space<semaphore_mem>>)
      %dma_wait3A = arith.constant 0 : i32
      %dma_wait3A_38 = tpu.memref_slice %arg4[%add3A_24, %dma_wait3A] : memref<2560x128xi32, #tpu.memory_space<hbm>> -> memref<40x128xi32, #tpu.memory_space<hbm>>
      %dma_wait3A_39 = arith.constant 0 : i32
      %dma_wait3A_40 = tpu.memref_slice %arg4[%add3A_24, %dma_wait3A_39] : memref<2560x128xi32, #tpu.memory_space<hbm>> -> memref<40x128xi32, #tpu.memory_space<hbm>>
      tpu.wait_dma2 semaphore(%run_scoped3A : memref<!tpu.dma_semaphore, #tpu.memory_space<semaphore_mem>>) src(%dma_wait3A_40 : memref<40x128xi32, #tpu.memory_space<hbm>>) dst(%arg8 : memref<40x128xi32, #tpu.memory_space<vmem>>)
      tpu.yield
    }) : () -> ()
    %scan3A_25 = arith.constant 0 : i32
    %scan3A_26 = arith.constant 40 : i32
    %scan3A_27 = arith.addi %scan3A_25, %scan3A_26 : i32
    %scan3A_28 = arith.constant 1 : i32
    scf.for %scan3A_35 = %scan3A_25 to %scan3A_27 step %scan3A_28  : i32 {
      %mul3A_36 = arith.constant 1 : i32
      %mul3A_37 = arith.muli %scan3A_35, %mul3A_36 : i32
      %add3A_38 = arith.constant 0 : i32
      %add3A_39 = arith.addi %add3A_38, %mul3A_37 : i32
      %run_scoped3A = arith.constant 0 : i32
      "tpu.region"() ({
        %run_scoped3A_41 = tpu.sem_alloc : memref<!tpu.dma_semaphore, #tpu.memory_space<semaphore_mem>>
        %dma_start3A = arith.constant 0 : i32
        %dma_start3A_42 = arith.constant 0 : i32
        %dma_start3A_43 = tpu.memref_slice %arg9[%run_scoped3A, %dma_start3A, %dma_start3A_42] : memref<2x128x128xf32, #tpu.memory_space<vmem>> -> memref<1x128x128xf32, #tpu.memory_space<vmem>>
        %dma_start3A_44 = tpu.memref_squeeze %dma_start3A_43 : memref<1x128x128xf32, #tpu.memory_space<vmem>> -> memref<128x128xf32, #tpu.memory_space<vmem>>
        %dma_start3A_45 = arith.constant 0 : i32
        %dma_start3A_46 = tpu.memref_slice %arg7[%add3A_39, %dma_start3A_45] : memref<40x128xi32, #tpu.memory_space<vmem>> -> memref<1x128xi32, #tpu.memory_space<vmem>>
        %dma_start3A_47 = tpu.memref_squeeze %dma_start3A_46 : memref<1x128xi32, #tpu.memory_space<vmem>> -> memref<128xi32, #tpu.memory_space<vmem>>
        %dma_start3A_48 = arith.constant 0 : i32
        %dma_start3A_49 = arith.constant 0 : i32
        %dma_start3A_50 = tpu.memref_slice %arg2[%dma_start3A_48, %dma_start3A_49] : memref<10240x128xf32, #tpu.memory_space<hbm>> -> memref<10240x128xf32, #tpu.memory_space<hbm>>
        tpu.enqueue_indirect_dma source(%dma_start3A_50 : memref<10240x128xf32, #tpu.memory_space<hbm>>) target(%dma_start3A_44 : memref<128x128xf32, #tpu.memory_space<vmem>>) offsets(%dma_start3A_47 : memref<128xi32, #tpu.memory_space<vmem>>) semaphore(%run_scoped3A_41 : memref<!tpu.dma_semaphore, #tpu.memory_space<semaphore_mem>>)
        %dma_wait3A = arith.constant 0 : i32
        %dma_wait3A_51 = arith.constant 0 : i32
        %dma_wait3A_52 = tpu.memref_slice %arg9[%run_scoped3A, %dma_wait3A, %dma_wait3A_51] : memref<2x128x128xf32, #tpu.memory_space<vmem>> -> memref<1x128x128xf32, #tpu.memory_space<vmem>>
        %dma_wait3A_53 = tpu.memref_squeeze %dma_wait3A_52 : memref<1x128x128xf32, #tpu.memory_space<vmem>> -> memref<128x128xf32, #tpu.memory_space<vmem>>
        %dma_wait3A_54 = arith.constant 0 : i32
        %dma_wait3A_55 = tpu.memref_slice %arg7[%add3A_39, %dma_wait3A_54] : memref<40x128xi32, #tpu.memory_space<vmem>> -> memref<1x128xi32, #tpu.memory_space<vmem>>
        %dma_wait3A_56 = tpu.memref_squeeze %dma_wait3A_55 : memref<1x128xi32, #tpu.memory_space<vmem>> -> memref<128xi32, #tpu.memory_space<vmem>>
        %dma_wait3A_57 = arith.constant 0 : i32
        %dma_wait3A_58 = arith.constant 0 : i32
        %dma_wait3A_59 = tpu.memref_slice %arg2[%dma_wait3A_57, %dma_wait3A_58] : memref<10240x128xf32, #tpu.memory_space<hbm>> -> memref<10240x128xf32, #tpu.memory_space<hbm>>
        tpu.wait_indirect_dma semaphore(%run_scoped3A_41 : memref<!tpu.dma_semaphore, #tpu.memory_space<semaphore_mem>>) src(%dma_wait3A_59 : memref<10240x128xf32, #tpu.memory_space<hbm>>) dst(%dma_wait3A_53 : memref<128x128xf32, #tpu.memory_space<vmem>>)
        tpu.yield
      }) : () -> ()
      %run_scoped3A_40 = arith.constant 0 : i32
      "tpu.region"() ({
        %run_scoped3A_41 = tpu.sem_alloc : memref<!tpu.dma_semaphore, #tpu.memory_space<semaphore_mem>>
        %dma_start3A = arith.constant 0 : i32
        %dma_start3A_42 = arith.constant 0 : i32
        %dma_start3A_43 = tpu.memref_slice %arg9[%run_scoped3A_40, %dma_start3A, %dma_start3A_42] : memref<2x128x128xf32, #tpu.memory_space<vmem>> -> memref<1x128x128xf32, #tpu.memory_space<vmem>>
        %dma_start3A_44 = tpu.memref_squeeze %dma_start3A_43 : memref<1x128x128xf32, #tpu.memory_space<vmem>> -> memref<128x128xf32, #tpu.memory_space<vmem>>
        %dma_start3A_45 = arith.constant 0 : i32
        %dma_start3A_46 = tpu.memref_slice %arg8[%add3A_39, %dma_start3A_45] : memref<40x128xi32, #tpu.memory_space<vmem>> -> memref<1x128xi32, #tpu.memory_space<vmem>>
        %dma_start3A_47 = tpu.memref_squeeze %dma_start3A_46 : memref<1x128xi32, #tpu.memory_space<vmem>> -> memref<128xi32, #tpu.memory_space<vmem>>
        %dma_start3A_48 = arith.constant 0 : i32
        %dma_start3A_49 = arith.constant 0 : i32
        %dma_start3A_50 = tpu.memref_slice %arg10[%dma_start3A_48, %dma_start3A_49] : memref<10240x128xf32, #tpu.memory_space<vmem_shared>> -> memref<10240x128xf32, #tpu.memory_space<vmem_shared>>
        tpu.enqueue_indirect_dma source(%dma_start3A_44 : memref<128x128xf32, #tpu.memory_space<vmem>>) target(%dma_start3A_50 : memref<10240x128xf32, #tpu.memory_space<vmem_shared>>) offsets(%dma_start3A_47 : memref<128xi32, #tpu.memory_space<vmem>>) semaphore(%run_scoped3A_41 : memref<!tpu.dma_semaphore, #tpu.memory_space<semaphore_mem>>) {add = true}
        %dma_wait3A = arith.constant 0 : i32
        %dma_wait3A_51 = arith.constant 0 : i32
        %dma_wait3A_52 = tpu.memref_slice %arg9[%run_scoped3A_40, %dma_wait3A, %dma_wait3A_51] : memref<2x128x128xf32, #tpu.memory_space<vmem>> -> memref<1x128x128xf32, #tpu.memory_space<vmem>>
        %dma_wait3A_53 = tpu.memref_squeeze %dma_wait3A_52 : memref<1x128x128xf32, #tpu.memory_space<vmem>> -> memref<128x128xf32, #tpu.memory_space<vmem>>
        %dma_wait3A_54 = arith.constant 0 : i32
        %dma_wait3A_55 = tpu.memref_slice %arg8[%add3A_39, %dma_wait3A_54] : memref<40x128xi32, #tpu.memory_space<vmem>> -> memref<1x128xi32, #tpu.memory_space<vmem>>
        %dma_wait3A_56 = tpu.memref_squeeze %dma_wait3A_55 : memref<1x128xi32, #tpu.memory_space<vmem>> -> memref<128xi32, #tpu.memory_space<vmem>>
        %dma_wait3A_57 = arith.constant 0 : i32
        %dma_wait3A_58 = arith.constant 0 : i32
        %dma_wait3A_59 = tpu.memref_slice %arg10[%dma_wait3A_57, %dma_wait3A_58] : memref<10240x128xf32, #tpu.memory_space<vmem_shared>> -> memref<10240x128xf32, #tpu.memory_space<vmem_shared>>
        tpu.wait_indirect_dma semaphore(%run_scoped3A_41 : memref<!tpu.dma_semaphore, #tpu.memory_space<semaphore_mem>>) src(%dma_wait3A_53 : memref<128x128xf32, #tpu.memory_space<vmem>>) dst(%dma_wait3A_59 : memref<10240x128xf32, #tpu.memory_space<vmem_shared>>)
        tpu.yield
      }) : () -> ()
    }
    %scan3A_29 = arith.constant 40 : i32
    %barrier3A_30 = arith.constant 0 : index
    tpu.barrier barrier_id(%barrier3A_30)
    %mul3A_31 = arith.constant 640 : i32
    %mul3A_32 = arith.muli %arg1, %mul3A_31 : i32
    %mul3A_33 = arith.constant 640 : i32
    %mul3A_34 = arith.muli %arg1, %mul3A_33 : i32
    "tpu.region"() ({
      %run_scoped3A = tpu.sem_alloc : memref<!tpu.dma_semaphore, #tpu.memory_space<semaphore_mem>>
      %dma_start3A = arith.constant 0 : i32
      %dma_start3A_35 = arith.constant 0 : i32
      %dma_start3A_36 = tpu.memref_slice %arg6[%arg0, %dma_start3A, %dma_start3A_35] : memref<2x10240x128xf32, #tpu.memory_space<hbm>> -> memref<1x10240x128xf32, #tpu.memory_space<hbm>>
      %dma_start3A_37 = tpu.memref_squeeze %dma_start3A_36 : memref<1x10240x128xf32, #tpu.memory_space<hbm>> -> memref<10240x128xf32, #tpu.memory_space<hbm>>
      %dma_start3A_38 = arith.constant 0 : i32
      %dma_start3A_39 = tpu.memref_slice %dma_start3A_37[%mul3A_34, %dma_start3A_38] : memref<10240x128xf32, #tpu.memory_space<hbm>> -> memref<640x128xf32, #tpu.memory_space<hbm>>
      %dma_start3A_40 = arith.constant 0 : i32
      %dma_start3A_41 = tpu.memref_slice %arg10[%mul3A_32, %dma_start3A_40] : memref<10240x128xf32, #tpu.memory_space<vmem_shared>> -> memref<640x128xf32, #tpu.memory_space<vmem_shared>>
      tpu.enqueue_dma source(%dma_start3A_41 : memref<640x128xf32, #tpu.memory_space<vmem_shared>>) target(%dma_start3A_39 : memref<640x128xf32, #tpu.memory_space<hbm>>) target_semaphore(%run_scoped3A : memref<!tpu.dma_semaphore, #tpu.memory_space<semaphore_mem>>)
      %dma_wait3A = arith.constant 0 : i32
      %dma_wait3A_42 = arith.constant 0 : i32
      %dma_wait3A_43 = tpu.memref_slice %arg6[%arg0, %dma_wait3A, %dma_wait3A_42] : memref<2x10240x128xf32, #tpu.memory_space<hbm>> -> memref<1x10240x128xf32, #tpu.memory_space<hbm>>
      %dma_wait3A_44 = tpu.memref_squeeze %dma_wait3A_43 : memref<1x10240x128xf32, #tpu.memory_space<hbm>> -> memref<10240x128xf32, #tpu.memory_space<hbm>>
      %dma_wait3A_45 = arith.constant 0 : i32
      %dma_wait3A_46 = tpu.memref_slice %dma_wait3A_44[%mul3A_34, %dma_wait3A_45] : memref<10240x128xf32, #tpu.memory_space<hbm>> -> memref<640x128xf32, #tpu.memory_space<hbm>>
      %dma_wait3A_47 = arith.constant 0 : i32
      %dma_wait3A_48 = tpu.memref_slice %arg10[%mul3A_32, %dma_wait3A_47] : memref<10240x128xf32, #tpu.memory_space<vmem_shared>> -> memref<640x128xf32, #tpu.memory_space<vmem_shared>>
      tpu.wait_dma2 semaphore(%run_scoped3A : memref<!tpu.dma_semaphore, #tpu.memory_space<semaphore_mem>>) src(%dma_wait3A_48 : memref<640x128xf32, #tpu.memory_space<vmem_shared>>) dst(%dma_wait3A_46 : memref<640x128xf32, #tpu.memory_space<hbm>>)
      tpu.yield
    }) : () -> ()
    return
  }
}

#map = affine_map<(d0, d1) -> (0, 0)>
#map1 = affine_map<(d0, d1) -> (0, 0, 0)>
module attributes {stable_mosaic.version = 14 : i64} {
  func.func @_edge_partials(%arg0: i32, %arg1: i32, %arg2: memref<10240x128xf32, #tpu.memory_space<hbm>>, %arg3: memref<2560x128xi32, #tpu.memory_space<hbm>>, %arg4: memref<2560x128xi32, #tpu.memory_space<hbm>>, %arg5: memref<10240x128xf32, #tpu.memory_space<hbm>>, %arg6: memref<2x10240x128xf32, #tpu.memory_space<hbm>>, %arg7: memref<40x128xi32, #tpu.memory_space<vmem>>, %arg8: memref<40x128xi32, #tpu.memory_space<vmem>>, %arg9: memref<2x128x128xf32, #tpu.memory_space<vmem>>, %arg10: memref<10240x128xf32, #tpu.memory_space<vmem_shared>>, %arg11: memref<!tpu.dma_semaphore, #tpu.memory_space<semaphore_mem>>, %arg12: memref<!tpu.dma_semaphore, #tpu.memory_space<semaphore_mem>>) attributes {dimension_semantics = [#tpu.dimension_semantics<core_parallel>, #tpu.dimension_semantics<subcore_parallel>], iteration_bounds = array<i64: 2, 16>, scalar_prefetch = 0 : i64, scratch_operands = 6 : i64, tpu.core_type = #tpu.core_type<sc_vector_subcore>, window_params = [{transform_indices = #map}, {transform_indices = #map}, {transform_indices = #map}, {transform_indices = #map}, {transform_indices = #map1}]} {
    %mul3A = arith.constant 2 : i32
    %mul3A_0 = arith.muli %arg1, %mul3A : i32
    %add3A = arith.addi %mul3A_0, %arg0 : i32
    %mul3A_1 = arith.constant 640 : i32
    %mul3A_2 = arith.muli %arg1, %mul3A_1 : i32
    %mul3A_3 = arith.constant 640 : i32
    %mul3A_4 = arith.muli %arg1, %mul3A_3 : i32
    "tpu.region"() ({
      %run_scoped3A = tpu.sem_alloc : memref<!tpu.dma_semaphore, #tpu.memory_space<semaphore_mem>>
      %dma_start3A = arith.constant 0 : i32
      %dma_start3A_35 = tpu.memref_slice %arg10[%mul3A_4, %dma_start3A] : memref<10240x128xf32, #tpu.memory_space<vmem_shared>> -> memref<640x128xf32, #tpu.memory_space<vmem_shared>>
      %dma_start3A_36 = arith.constant 0 : i32
      %dma_start3A_37 = tpu.memref_slice %arg5[%mul3A_2, %dma_start3A_36] : memref<10240x128xf32, #tpu.memory_space<hbm>> -> memref<640x128xf32, #tpu.memory_space<hbm>>
      tpu.enqueue_dma source(%dma_start3A_37 : memref<640x128xf32, #tpu.memory_space<hbm>>) target(%dma_start3A_35 : memref<640x128xf32, #tpu.memory_space<vmem_shared>>) target_semaphore(%run_scoped3A : memref<!tpu.dma_semaphore, #tpu.memory_space<semaphore_mem>>)
      %dma_wait3A = arith.constant 0 : i32
      %dma_wait3A_38 = tpu.memref_slice %arg10[%mul3A_4, %dma_wait3A] : memref<10240x128xf32, #tpu.memory_space<vmem_shared>> -> memref<640x128xf32, #tpu.memory_space<vmem_shared>>
      %dma_wait3A_39 = arith.constant 0 : i32
      %dma_wait3A_40 = tpu.memref_slice %arg5[%mul3A_2, %dma_wait3A_39] : memref<10240x128xf32, #tpu.memory_space<hbm>> -> memref<640x128xf32, #tpu.memory_space<hbm>>
      tpu.wait_dma2 semaphore(%run_scoped3A : memref<!tpu.dma_semaphore, #tpu.memory_space<semaphore_mem>>) src(%dma_wait3A_40 : memref<640x128xf32, #tpu.memory_space<hbm>>) dst(%dma_wait3A_38 : memref<640x128xf32, #tpu.memory_space<vmem_shared>>)
      tpu.yield
    }) : () -> ()
    %barrier3A = arith.constant 0 : index
    tpu.barrier barrier_id(%barrier3A)
    %mul3A_5 = arith.constant 80 : i32
    %mul3A_6 = arith.muli %add3A, %mul3A_5 : i32
    %add3A_7 = arith.constant 0 : i32
    %add3A_8 = arith.addi %mul3A_6, %add3A_7 : i32
    "tpu.region"() ({
      %run_scoped3A = tpu.sem_alloc : memref<!tpu.dma_semaphore, #tpu.memory_space<semaphore_mem>>
      %dma_start3A = arith.constant 0 : i32
      %dma_start3A_35 = tpu.memref_slice %arg3[%add3A_8, %dma_start3A] : memref<2560x128xi32, #tpu.memory_space<hbm>> -> memref<40x128xi32, #tpu.memory_space<hbm>>
      %dma_start3A_36 = arith.constant 0 : i32
      %dma_start3A_37 = tpu.memref_slice %arg3[%add3A_8, %dma_start3A_36] : memref<2560x128xi32, #tpu.memory_space<hbm>> -> memref<40x128xi32, #tpu.memory_space<hbm>>
      tpu.enqueue_dma source(%dma_start3A_37 : memref<40x128xi32, #tpu.memory_space<hbm>>) target(%arg7 : memref<40x128xi32, #tpu.memory_space<vmem>>) target_semaphore(%run_scoped3A : memref<!tpu.dma_semaphore, #tpu.memory_space<semaphore_mem>>)
      %dma_wait3A = arith.constant 0 : i32
      %dma_wait3A_38 = tpu.memref_slice %arg3[%add3A_8, %dma_wait3A] : memref<2560x128xi32, #tpu.memory_space<hbm>> -> memref<40x128xi32, #tpu.memory_space<hbm>>
      %dma_wait3A_39 = arith.constant 0 : i32
      %dma_wait3A_40 = tpu.memref_slice %arg3[%add3A_8, %dma_wait3A_39] : memref<2560x128xi32, #tpu.memory_space<hbm>> -> memref<40x128xi32, #tpu.memory_space<hbm>>
      tpu.wait_dma2 semaphore(%run_scoped3A : memref<!tpu.dma_semaphore, #tpu.memory_space<semaphore_mem>>) src(%dma_wait3A_40 : memref<40x128xi32, #tpu.memory_space<hbm>>) dst(%arg7 : memref<40x128xi32, #tpu.memory_space<vmem>>)
      tpu.yield
    }) : () -> ()
    %mul3A_9 = arith.constant 80 : i32
    %mul3A_10 = arith.muli %add3A, %mul3A_9 : i32
    %add3A_11 = arith.constant 0 : i32
    %add3A_12 = arith.addi %mul3A_10, %add3A_11 : i32
    "tpu.region"() ({
      %run_scoped3A = tpu.sem_alloc : memref<!tpu.dma_semaphore, #tpu.memory_space<semaphore_mem>>
      %dma_start3A = arith.constant 0 : i32
      %dma_start3A_35 = tpu.memref_slice %arg4[%add3A_12, %dma_start3A] : memref<2560x128xi32, #tpu.memory_space<hbm>> -> memref<40x128xi32, #tpu.memory_space<hbm>>
      %dma_start3A_36 = arith.constant 0 : i32
      %dma_start3A_37 = tpu.memref_slice %arg4[%add3A_12, %dma_start3A_36] : memref<2560x128xi32, #tpu.memory_space<hbm>> -> memref<40x128xi32, #tpu.memory_space<hbm>>
      tpu.enqueue_dma source(%dma_start3A_37 : memref<40x128xi32, #tpu.memory_space<hbm>>) target(%arg8 : memref<40x128xi32, #tpu.memory_space<vmem>>) target_semaphore(%run_scoped3A : memref<!tpu.dma_semaphore, #tpu.memory_space<semaphore_mem>>)
      %dma_wait3A = arith.constant 0 : i32
      %dma_wait3A_38 = tpu.memref_slice %arg4[%add3A_12, %dma_wait3A] : memref<2560x128xi32, #tpu.memory_space<hbm>> -> memref<40x128xi32, #tpu.memory_space<hbm>>
      %dma_wait3A_39 = arith.constant 0 : i32
      %dma_wait3A_40 = tpu.memref_slice %arg4[%add3A_12, %dma_wait3A_39] : memref<2560x128xi32, #tpu.memory_space<hbm>> -> memref<40x128xi32, #tpu.memory_space<hbm>>
      tpu.wait_dma2 semaphore(%run_scoped3A : memref<!tpu.dma_semaphore, #tpu.memory_space<semaphore_mem>>) src(%dma_wait3A_40 : memref<40x128xi32, #tpu.memory_space<hbm>>) dst(%arg8 : memref<40x128xi32, #tpu.memory_space<vmem>>)
      tpu.yield
    }) : () -> ()
    %scan3A = arith.constant 0 : i32
    %scan3A_13 = arith.constant 40 : i32
    %scan3A_14 = arith.addi %scan3A, %scan3A_13 : i32
    %scan3A_15 = arith.constant 1 : i32
    scf.for %scan3A_35 = %scan3A to %scan3A_14 step %scan3A_15  : i32 {
      %mul3A_36 = arith.constant 1 : i32
      %mul3A_37 = arith.muli %scan3A_35, %mul3A_36 : i32
      %add3A_38 = arith.constant 0 : i32
      %add3A_39 = arith.addi %add3A_38, %mul3A_37 : i32
      %run_scoped3A = arith.constant 0 : i32
      "tpu.region"() ({
        %run_scoped3A_41 = tpu.sem_alloc : memref<!tpu.dma_semaphore, #tpu.memory_space<semaphore_mem>>
        %dma_start3A = arith.constant 0 : i32
        %dma_start3A_42 = arith.constant 0 : i32
        %dma_start3A_43 = tpu.memref_slice %arg9[%run_scoped3A, %dma_start3A, %dma_start3A_42] : memref<2x128x128xf32, #tpu.memory_space<vmem>> -> memref<1x128x128xf32, #tpu.memory_space<vmem>>
        %dma_start3A_44 = tpu.memref_squeeze %dma_start3A_43 : memref<1x128x128xf32, #tpu.memory_space<vmem>> -> memref<128x128xf32, #tpu.memory_space<vmem>>
        %dma_start3A_45 = arith.constant 0 : i32
        %dma_start3A_46 = tpu.memref_slice %arg7[%add3A_39, %dma_start3A_45] : memref<40x128xi32, #tpu.memory_space<vmem>> -> memref<1x128xi32, #tpu.memory_space<vmem>>
        %dma_start3A_47 = tpu.memref_squeeze %dma_start3A_46 : memref<1x128xi32, #tpu.memory_space<vmem>> -> memref<128xi32, #tpu.memory_space<vmem>>
        %dma_start3A_48 = arith.constant 0 : i32
        %dma_start3A_49 = arith.constant 0 : i32
        %dma_start3A_50 = tpu.memref_slice %arg2[%dma_start3A_48, %dma_start3A_49] : memref<10240x128xf32, #tpu.memory_space<hbm>> -> memref<10240x128xf32, #tpu.memory_space<hbm>>
        tpu.enqueue_indirect_dma source(%dma_start3A_50 : memref<10240x128xf32, #tpu.memory_space<hbm>>) target(%dma_start3A_44 : memref<128x128xf32, #tpu.memory_space<vmem>>) offsets(%dma_start3A_47 : memref<128xi32, #tpu.memory_space<vmem>>) semaphore(%run_scoped3A_41 : memref<!tpu.dma_semaphore, #tpu.memory_space<semaphore_mem>>)
        %dma_wait3A = arith.constant 0 : i32
        %dma_wait3A_51 = arith.constant 0 : i32
        %dma_wait3A_52 = tpu.memref_slice %arg9[%run_scoped3A, %dma_wait3A, %dma_wait3A_51] : memref<2x128x128xf32, #tpu.memory_space<vmem>> -> memref<1x128x128xf32, #tpu.memory_space<vmem>>
        %dma_wait3A_53 = tpu.memref_squeeze %dma_wait3A_52 : memref<1x128x128xf32, #tpu.memory_space<vmem>> -> memref<128x128xf32, #tpu.memory_space<vmem>>
        %dma_wait3A_54 = arith.constant 0 : i32
        %dma_wait3A_55 = tpu.memref_slice %arg7[%add3A_39, %dma_wait3A_54] : memref<40x128xi32, #tpu.memory_space<vmem>> -> memref<1x128xi32, #tpu.memory_space<vmem>>
        %dma_wait3A_56 = tpu.memref_squeeze %dma_wait3A_55 : memref<1x128xi32, #tpu.memory_space<vmem>> -> memref<128xi32, #tpu.memory_space<vmem>>
        %dma_wait3A_57 = arith.constant 0 : i32
        %dma_wait3A_58 = arith.constant 0 : i32
        %dma_wait3A_59 = tpu.memref_slice %arg2[%dma_wait3A_57, %dma_wait3A_58] : memref<10240x128xf32, #tpu.memory_space<hbm>> -> memref<10240x128xf32, #tpu.memory_space<hbm>>
        tpu.wait_indirect_dma semaphore(%run_scoped3A_41 : memref<!tpu.dma_semaphore, #tpu.memory_space<semaphore_mem>>) src(%dma_wait3A_59 : memref<10240x128xf32, #tpu.memory_space<hbm>>) dst(%dma_wait3A_53 : memref<128x128xf32, #tpu.memory_space<vmem>>)
        tpu.yield
      }) : () -> ()
      %run_scoped3A_40 = arith.constant 0 : i32
      "tpu.region"() ({
        %run_scoped3A_41 = tpu.sem_alloc : memref<!tpu.dma_semaphore, #tpu.memory_space<semaphore_mem>>
        %dma_start3A = arith.constant 0 : i32
        %dma_start3A_42 = arith.constant 0 : i32
        %dma_start3A_43 = tpu.memref_slice %arg9[%run_scoped3A_40, %dma_start3A, %dma_start3A_42] : memref<2x128x128xf32, #tpu.memory_space<vmem>> -> memref<1x128x128xf32, #tpu.memory_space<vmem>>
        %dma_start3A_44 = tpu.memref_squeeze %dma_start3A_43 : memref<1x128x128xf32, #tpu.memory_space<vmem>> -> memref<128x128xf32, #tpu.memory_space<vmem>>
        %dma_start3A_45 = arith.constant 0 : i32
        %dma_start3A_46 = tpu.memref_slice %arg8[%add3A_39, %dma_start3A_45] : memref<40x128xi32, #tpu.memory_space<vmem>> -> memref<1x128xi32, #tpu.memory_space<vmem>>
        %dma_start3A_47 = tpu.memref_squeeze %dma_start3A_46 : memref<1x128xi32, #tpu.memory_space<vmem>> -> memref<128xi32, #tpu.memory_space<vmem>>
        %dma_start3A_48 = arith.constant 0 : i32
        %dma_start3A_49 = arith.constant 0 : i32
        %dma_start3A_50 = tpu.memref_slice %arg10[%dma_start3A_48, %dma_start3A_49] : memref<10240x128xf32, #tpu.memory_space<vmem_shared>> -> memref<10240x128xf32, #tpu.memory_space<vmem_shared>>
        tpu.enqueue_indirect_dma source(%dma_start3A_44 : memref<128x128xf32, #tpu.memory_space<vmem>>) target(%dma_start3A_50 : memref<10240x128xf32, #tpu.memory_space<vmem_shared>>) offsets(%dma_start3A_47 : memref<128xi32, #tpu.memory_space<vmem>>) semaphore(%run_scoped3A_41 : memref<!tpu.dma_semaphore, #tpu.memory_space<semaphore_mem>>) {add = true}
        %dma_wait3A = arith.constant 0 : i32
        %dma_wait3A_51 = arith.constant 0 : i32
        %dma_wait3A_52 = tpu.memref_slice %arg9[%run_scoped3A_40, %dma_wait3A, %dma_wait3A_51] : memref<2x128x128xf32, #tpu.memory_space<vmem>> -> memref<1x128x128xf32, #tpu.memory_space<vmem>>
        %dma_wait3A_53 = tpu.memref_squeeze %dma_wait3A_52 : memref<1x128x128xf32, #tpu.memory_space<vmem>> -> memref<128x128xf32, #tpu.memory_space<vmem>>
        %dma_wait3A_54 = arith.constant 0 : i32
        %dma_wait3A_55 = tpu.memref_slice %arg8[%add3A_39, %dma_wait3A_54] : memref<40x128xi32, #tpu.memory_space<vmem>> -> memref<1x128xi32, #tpu.memory_space<vmem>>
        %dma_wait3A_56 = tpu.memref_squeeze %dma_wait3A_55 : memref<1x128xi32, #tpu.memory_space<vmem>> -> memref<128xi32, #tpu.memory_space<vmem>>
        %dma_wait3A_57 = arith.constant 0 : i32
        %dma_wait3A_58 = arith.constant 0 : i32
        %dma_wait3A_59 = tpu.memref_slice %arg10[%dma_wait3A_57, %dma_wait3A_58] : memref<10240x128xf32, #tpu.memory_space<vmem_shared>> -> memref<10240x128xf32, #tpu.memory_space<vmem_shared>>
        tpu.wait_indirect_dma semaphore(%run_scoped3A_41 : memref<!tpu.dma_semaphore, #tpu.memory_space<semaphore_mem>>) src(%dma_wait3A_53 : memref<128x128xf32, #tpu.memory_space<vmem>>) dst(%dma_wait3A_59 : memref<10240x128xf32, #tpu.memory_space<vmem_shared>>)
        tpu.yield
      }) : () -> ()
    }
    %scan3A_16 = arith.constant 40 : i32
    %mul3A_17 = arith.constant 80 : i32
    %mul3A_18 = arith.muli %add3A, %mul3A_17 : i32
    %add3A_19 = arith.constant 40 : i32
    %add3A_20 = arith.addi %mul3A_18, %add3A_19 : i32
    "tpu.region"() ({
      %run_scoped3A = tpu.sem_alloc : memref<!tpu.dma_semaphore, #tpu.memory_space<semaphore_mem>>
      %dma_start3A = arith.constant 0 : i32
      %dma_start3A_35 = tpu.memref_slice %arg3[%add3A_20, %dma_start3A] : memref<2560x128xi32, #tpu.memory_space<hbm>> -> memref<40x128xi32, #tpu.memory_space<hbm>>
      %dma_start3A_36 = arith.constant 0 : i32
      %dma_start3A_37 = tpu.memref_slice %arg3[%add3A_20, %dma_start3A_36] : memref<2560x128xi32, #tpu.memory_space<hbm>> -> memref<40x128xi32, #tpu.memory_space<hbm>>
      tpu.enqueue_dma source(%dma_start3A_37 : memref<40x128xi32, #tpu.memory_space<hbm>>) target(%arg7 : memref<40x128xi32, #tpu.memory_space<vmem>>) target_semaphore(%run_scoped3A : memref<!tpu.dma_semaphore, #tpu.memory_space<semaphore_mem>>)
      %dma_wait3A = arith.constant 0 : i32
      %dma_wait3A_38 = tpu.memref_slice %arg3[%add3A_20, %dma_wait3A] : memref<2560x128xi32, #tpu.memory_space<hbm>> -> memref<40x128xi32, #tpu.memory_space<hbm>>
      %dma_wait3A_39 = arith.constant 0 : i32
      %dma_wait3A_40 = tpu.memref_slice %arg3[%add3A_20, %dma_wait3A_39] : memref<2560x128xi32, #tpu.memory_space<hbm>> -> memref<40x128xi32, #tpu.memory_space<hbm>>
      tpu.wait_dma2 semaphore(%run_scoped3A : memref<!tpu.dma_semaphore, #tpu.memory_space<semaphore_mem>>) src(%dma_wait3A_40 : memref<40x128xi32, #tpu.memory_space<hbm>>) dst(%arg7 : memref<40x128xi32, #tpu.memory_space<vmem>>)
      tpu.yield
    }) : () -> ()
    %mul3A_21 = arith.constant 80 : i32
    %mul3A_22 = arith.muli %add3A, %mul3A_21 : i32
    %add3A_23 = arith.constant 40 : i32
    %add3A_24 = arith.addi %mul3A_22, %add3A_23 : i32
    "tpu.region"() ({
      %run_scoped3A = tpu.sem_alloc : memref<!tpu.dma_semaphore, #tpu.memory_space<semaphore_mem>>
      %dma_start3A = arith.constant 0 : i32
      %dma_start3A_35 = tpu.memref_slice %arg4[%add3A_24, %dma_start3A] : memref<2560x128xi32, #tpu.memory_space<hbm>> -> memref<40x128xi32, #tpu.memory_space<hbm>>
      %dma_start3A_36 = arith.constant 0 : i32
      %dma_start3A_37 = tpu.memref_slice %arg4[%add3A_24, %dma_start3A_36] : memref<2560x128xi32, #tpu.memory_space<hbm>> -> memref<40x128xi32, #tpu.memory_space<hbm>>
      tpu.enqueue_dma source(%dma_start3A_37 : memref<40x128xi32, #tpu.memory_space<hbm>>) target(%arg8 : memref<40x128xi32, #tpu.memory_space<vmem>>) target_semaphore(%run_scoped3A : memref<!tpu.dma_semaphore, #tpu.memory_space<semaphore_mem>>)
      %dma_wait3A = arith.constant 0 : i32
      %dma_wait3A_38 = tpu.memref_slice %arg4[%add3A_24, %dma_wait3A] : memref<2560x128xi32, #tpu.memory_space<hbm>> -> memref<40x128xi32, #tpu.memory_space<hbm>>
      %dma_wait3A_39 = arith.constant 0 : i32
      %dma_wait3A_40 = tpu.memref_slice %arg4[%add3A_24, %dma_wait3A_39] : memref<2560x128xi32, #tpu.memory_space<hbm>> -> memref<40x128xi32, #tpu.memory_space<hbm>>
      tpu.wait_dma2 semaphore(%run_scoped3A : memref<!tpu.dma_semaphore, #tpu.memory_space<semaphore_mem>>) src(%dma_wait3A_40 : memref<40x128xi32, #tpu.memory_space<hbm>>) dst(%arg8 : memref<40x128xi32, #tpu.memory_space<vmem>>)
      tpu.yield
    }) : () -> ()
    %scan3A_25 = arith.constant 0 : i32
    %scan3A_26 = arith.constant 40 : i32
    %scan3A_27 = arith.addi %scan3A_25, %scan3A_26 : i32
    %scan3A_28 = arith.constant 1 : i32
    scf.for %scan3A_35 = %scan3A_25 to %scan3A_27 step %scan3A_28  : i32 {
      %mul3A_36 = arith.constant 1 : i32
      %mul3A_37 = arith.muli %scan3A_35, %mul3A_36 : i32
      %add3A_38 = arith.constant 0 : i32
      %add3A_39 = arith.addi %add3A_38, %mul3A_37 : i32
      %run_scoped3A = arith.constant 0 : i32
      "tpu.region"() ({
        %run_scoped3A_41 = tpu.sem_alloc : memref<!tpu.dma_semaphore, #tpu.memory_space<semaphore_mem>>
        %dma_start3A = arith.constant 0 : i32
        %dma_start3A_42 = arith.constant 0 : i32
        %dma_start3A_43 = tpu.memref_slice %arg9[%run_scoped3A, %dma_start3A, %dma_start3A_42] : memref<2x128x128xf32, #tpu.memory_space<vmem>> -> memref<1x128x128xf32, #tpu.memory_space<vmem>>
        %dma_start3A_44 = tpu.memref_squeeze %dma_start3A_43 : memref<1x128x128xf32, #tpu.memory_space<vmem>> -> memref<128x128xf32, #tpu.memory_space<vmem>>
        %dma_start3A_45 = arith.constant 0 : i32
        %dma_start3A_46 = tpu.memref_slice %arg7[%add3A_39, %dma_start3A_45] : memref<40x128xi32, #tpu.memory_space<vmem>> -> memref<1x128xi32, #tpu.memory_space<vmem>>
        %dma_start3A_47 = tpu.memref_squeeze %dma_start3A_46 : memref<1x128xi32, #tpu.memory_space<vmem>> -> memref<128xi32, #tpu.memory_space<vmem>>
        %dma_start3A_48 = arith.constant 0 : i32
        %dma_start3A_49 = arith.constant 0 : i32
        %dma_start3A_50 = tpu.memref_slice %arg2[%dma_start3A_48, %dma_start3A_49] : memref<10240x128xf32, #tpu.memory_space<hbm>> -> memref<10240x128xf32, #tpu.memory_space<hbm>>
        tpu.enqueue_indirect_dma source(%dma_start3A_50 : memref<10240x128xf32, #tpu.memory_space<hbm>>) target(%dma_start3A_44 : memref<128x128xf32, #tpu.memory_space<vmem>>) offsets(%dma_start3A_47 : memref<128xi32, #tpu.memory_space<vmem>>) semaphore(%run_scoped3A_41 : memref<!tpu.dma_semaphore, #tpu.memory_space<semaphore_mem>>)
        %dma_wait3A = arith.constant 0 : i32
        %dma_wait3A_51 = arith.constant 0 : i32
        %dma_wait3A_52 = tpu.memref_slice %arg9[%run_scoped3A, %dma_wait3A, %dma_wait3A_51] : memref<2x128x128xf32, #tpu.memory_space<vmem>> -> memref<1x128x128xf32, #tpu.memory_space<vmem>>
        %dma_wait3A_53 = tpu.memref_squeeze %dma_wait3A_52 : memref<1x128x128xf32, #tpu.memory_space<vmem>> -> memref<128x128xf32, #tpu.memory_space<vmem>>
        %dma_wait3A_54 = arith.constant 0 : i32
        %dma_wait3A_55 = tpu.memref_slice %arg7[%add3A_39, %dma_wait3A_54] : memref<40x128xi32, #tpu.memory_space<vmem>> -> memref<1x128xi32, #tpu.memory_space<vmem>>
        %dma_wait3A_56 = tpu.memref_squeeze %dma_wait3A_55 : memref<1x128xi32, #tpu.memory_space<vmem>> -> memref<128xi32, #tpu.memory_space<vmem>>
        %dma_wait3A_57 = arith.constant 0 : i32
        %dma_wait3A_58 = arith.constant 0 : i32
        %dma_wait3A_59 = tpu.memref_slice %arg2[%dma_wait3A_57, %dma_wait3A_58] : memref<10240x128xf32, #tpu.memory_space<hbm>> -> memref<10240x128xf32, #tpu.memory_space<hbm>>
        tpu.wait_indirect_dma semaphore(%run_scoped3A_41 : memref<!tpu.dma_semaphore, #tpu.memory_space<semaphore_mem>>) src(%dma_wait3A_59 : memref<10240x128xf32, #tpu.memory_space<hbm>>) dst(%dma_wait3A_53 : memref<128x128xf32, #tpu.memory_space<vmem>>)
        tpu.yield
      }) : () -> ()
      %run_scoped3A_40 = arith.constant 0 : i32
      "tpu.region"() ({
        %run_scoped3A_41 = tpu.sem_alloc : memref<!tpu.dma_semaphore, #tpu.memory_space<semaphore_mem>>
        %dma_start3A = arith.constant 0 : i32
        %dma_start3A_42 = arith.constant 0 : i32
        %dma_start3A_43 = tpu.memref_slice %arg9[%run_scoped3A_40, %dma_start3A, %dma_start3A_42] : memref<2x128x128xf32, #tpu.memory_space<vmem>> -> memref<1x128x128xf32, #tpu.memory_space<vmem>>
        %dma_start3A_44 = tpu.memref_squeeze %dma_start3A_43 : memref<1x128x128xf32, #tpu.memory_space<vmem>> -> memref<128x128xf32, #tpu.memory_space<vmem>>
        %dma_start3A_45 = arith.constant 0 : i32
        %dma_start3A_46 = tpu.memref_slice %arg8[%add3A_39, %dma_start3A_45] : memref<40x128xi32, #tpu.memory_space<vmem>> -> memref<1x128xi32, #tpu.memory_space<vmem>>
        %dma_start3A_47 = tpu.memref_squeeze %dma_start3A_46 : memref<1x128xi32, #tpu.memory_space<vmem>> -> memref<128xi32, #tpu.memory_space<vmem>>
        %dma_start3A_48 = arith.constant 0 : i32
        %dma_start3A_49 = arith.constant 0 : i32
        %dma_start3A_50 = tpu.memref_slice %arg10[%dma_start3A_48, %dma_start3A_49] : memref<10240x128xf32, #tpu.memory_space<vmem_shared>> -> memref<10240x128xf32, #tpu.memory_space<vmem_shared>>
        tpu.enqueue_indirect_dma source(%dma_start3A_44 : memref<128x128xf32, #tpu.memory_space<vmem>>) target(%dma_start3A_50 : memref<10240x128xf32, #tpu.memory_space<vmem_shared>>) offsets(%dma_start3A_47 : memref<128xi32, #tpu.memory_space<vmem>>) semaphore(%run_scoped3A_41 : memref<!tpu.dma_semaphore, #tpu.memory_space<semaphore_mem>>) {add = true}
        %dma_wait3A = arith.constant 0 : i32
        %dma_wait3A_51 = arith.constant 0 : i32
        %dma_wait3A_52 = tpu.memref_slice %arg9[%run_scoped3A_40, %dma_wait3A, %dma_wait3A_51] : memref<2x128x128xf32, #tpu.memory_space<vmem>> -> memref<1x128x128xf32, #tpu.memory_space<vmem>>
        %dma_wait3A_53 = tpu.memref_squeeze %dma_wait3A_52 : memref<1x128x128xf32, #tpu.memory_space<vmem>> -> memref<128x128xf32, #tpu.memory_space<vmem>>
        %dma_wait3A_54 = arith.constant 0 : i32
        %dma_wait3A_55 = tpu.memref_slice %arg8[%add3A_39, %dma_wait3A_54] : memref<40x128xi32, #tpu.memory_space<vmem>> -> memref<1x128xi32, #tpu.memory_space<vmem>>
        %dma_wait3A_56 = tpu.memref_squeeze %dma_wait3A_55 : memref<1x128xi32, #tpu.memory_space<vmem>> -> memref<128xi32, #tpu.memory_space<vmem>>
        %dma_wait3A_57 = arith.constant 0 : i32
        %dma_wait3A_58 = arith.constant 0 : i32
        %dma_wait3A_59 = tpu.memref_slice %arg10[%dma_wait3A_57, %dma_wait3A_58] : memref<10240x128xf32, #tpu.memory_space<vmem_shared>> -> memref<10240x128xf32, #tpu.memory_space<vmem_shared>>
        tpu.wait_indirect_dma semaphore(%run_scoped3A_41 : memref<!tpu.dma_semaphore, #tpu.memory_space<semaphore_mem>>) src(%dma_wait3A_53 : memref<128x128xf32, #tpu.memory_space<vmem>>) dst(%dma_wait3A_59 : memref<10240x128xf32, #tpu.memory_space<vmem_shared>>)
        tpu.yield
      }) : () -> ()
    }
    %scan3A_29 = arith.constant 40 : i32
    %barrier3A_30 = arith.constant 0 : index
    tpu.barrier barrier_id(%barrier3A_30)
    %mul3A_31 = arith.constant 640 : i32
    %mul3A_32 = arith.muli %arg1, %mul3A_31 : i32
    %mul3A_33 = arith.constant 640 : i32
    %mul3A_34 = arith.muli %arg1, %mul3A_33 : i32
    "tpu.region"() ({
      %run_scoped3A = tpu.sem_alloc : memref<!tpu.dma_semaphore, #tpu.memory_space<semaphore_mem>>
      %dma_start3A = arith.constant 0 : i32
      %dma_start3A_35 = arith.constant 0 : i32
      %dma_start3A_36 = tpu.memref_slice %arg6[%arg0, %dma_start3A, %dma_start3A_35] : memref<2x10240x128xf32, #tpu.memory_space<hbm>> -> memref<1x10240x128xf32, #tpu.memory_space<hbm>>
      %dma_start3A_37 = tpu.memref_squeeze %dma_start3A_36 : memref<1x10240x128xf32, #tpu.memory_space<hbm>> -> memref<10240x128xf32, #tpu.memory_space<hbm>>
      %dma_start3A_38 = arith.constant 0 : i32
      %dma_start3A_39 = tpu.memref_slice %dma_start3A_37[%mul3A_34, %dma_start3A_38] : memref<10240x128xf32, #tpu.memory_space<hbm>> -> memref<640x128xf32, #tpu.memory_space<hbm>>
      %dma_start3A_40 = arith.constant 0 : i32
      %dma_start3A_41 = tpu.memref_slice %arg10[%mul3A_32, %dma_start3A_40] : memref<10240x128xf32, #tpu.memory_space<vmem_shared>> -> memref<640x128xf32, #tpu.memory_space<vmem_shared>>
      tpu.enqueue_dma source(%dma_start3A_41 : memref<640x128xf32, #tpu.memory_space<vmem_shared>>) target(%dma_start3A_39 : memref<640x128xf32, #tpu.memory_space<hbm>>) target_semaphore(%run_scoped3A : memref<!tpu.dma_semaphore, #tpu.memory_space<semaphore_mem>>)
      %dma_wait3A = arith.constant 0 : i32
      %dma_wait3A_42 = arith.constant 0 : i32
      %dma_wait3A_43 = tpu.memref_slice %arg6[%arg0, %dma_wait3A, %dma_wait3A_42] : memref<2x10240x128xf32, #tpu.memory_space<hbm>> -> memref<1x10240x128xf32, #tpu.memory_space<hbm>>
      %dma_wait3A_44 = tpu.memref_squeeze %dma_wait3A_43 : memref<1x10240x128xf32, #tpu.memory_space<hbm>> -> memref<10240x128xf32, #tpu.memory_space<hbm>>
      %dma_wait3A_45 = arith.constant 0 : i32
      %dma_wait3A_46 = tpu.memref_slice %dma_wait3A_44[%mul3A_34, %dma_wait3A_45] : memref<10240x128xf32, #tpu.memory_space<hbm>> -> memref<640x128xf32, #tpu.memory_space<hbm>>
      %dma_wait3A_47 = arith.constant 0 : i32
      %dma_wait3A_48 = tpu.memref_slice %arg10[%mul3A_32, %dma_wait3A_47] : memref<10240x128xf32, #tpu.memory_space<vmem_shared>> -> memref<640x128xf32, #tpu.memory_space<vmem_shared>>
      tpu.wait_dma2 semaphore(%run_scoped3A : memref<!tpu.dma_semaphore, #tpu.memory_space<semaphore_mem>>) src(%dma_wait3A_48 : memref<640x128xf32, #tpu.memory_space<vmem_shared>>) dst(%dma_wait3A_46 : memref<640x128xf32, #tpu.memory_space<hbm>>)
      tpu.yield
    }) : () -> ()
    return
  }
}

module attributes {stable_mosaic.version = 14 : i64} {
  func.func @_prep_body(%arg0: i32, %arg1: memref<2x512x128xf32, #tpu.memory_space<vmem>>, %arg2: memref<512x128xf32, #tpu.memory_space<vmem>>, %arg3: memref<512x128xf32, #tpu.memory_space<vmem>>, %arg4: memref<512x1xf32, #tpu.memory_space<vmem>>) attributes {dimension_semantics = [#tpu.dimension_semantics<arbitrary>], iteration_bounds = array<i64: 20>, scalar_prefetch = 0 : i64, scratch_operands = 0 : i64, tpu.core_type = #tpu.core_type<tc>, window_params = [{transform_indices = @transform_0, window_bounds = array<i64: 2, 512, 128>}, {transform_indices = @transform_1, window_bounds = array<i64: 512, 128>}, {transform_indices = @transform_2, window_bounds = array<i64: 512, 128>}, {transform_indices = @transform_3, window_bounds = array<i64: 512, 1>}]} {
    %get3A = arith.constant 0 : index
    %get3A_0 = arith.constant 0 : index
    %get3A_1 = arith.constant 0 : index
    %get3A_2 = vector.load %arg1[%get3A, %get3A_0, %get3A_1] : memref<2x512x128xf32, #tpu.memory_space<vmem>>, vector<1x512x1xf32>
    %get3A_3 = vector.shape_cast %get3A_2 : vector<1x512x1xf32> to vector<512x1xf32>
    %get3A_4 = arith.constant 1 : index
    %get3A_5 = arith.constant 0 : index
    %get3A_6 = arith.constant 0 : index
    %get3A_7 = vector.load %arg1[%get3A_4, %get3A_5, %get3A_6] : memref<2x512x128xf32, #tpu.memory_space<vmem>>, vector<1x512x1xf32>
    %get3A_8 = vector.shape_cast %get3A_7 : vector<1x512x1xf32> to vector<512x1xf32>
    %add3A = arith.addf %get3A_3, %get3A_8 : vector<512x1xf32>
    %add3A_9 = arith.constant 1.000000e+00 : f32
    %add3A_10 = vector.broadcast %add3A_9 : f32 to vector<512x1xf32>
    %add3A_11 = arith.addf %add3A, %add3A_10 : vector<512x1xf32>
    %rsqrt3A = math.rsqrt %add3A_11 : vector<512x1xf32>
    %swap3A = arith.constant 0 : index
    %swap3A_12 = arith.constant 0 : index
    %swap3A_13 = vector.load %arg4[%swap3A, %swap3A_12] : memref<512x1xf32, #tpu.memory_space<vmem>>, vector<512x1xf32>
    tpu.vector_store %arg4[%swap3A, %swap3A_12], %rsqrt3A {strides = array<i32>} : memref<512x1xf32, #tpu.memory_space<vmem>>, vector<512x1xf32>,
    %get3A_14 = arith.constant 0 : index
    %get3A_15 = arith.constant 0 : index
    %get3A_16 = vector.load %arg2[%get3A_14, %get3A_15] : memref<512x128xf32, #tpu.memory_space<vmem>>, vector<512x128xf32>
    %mul3A = vector.broadcast %rsqrt3A : vector<512x1xf32> to vector<512x128xf32>
    %mul3A_17 = arith.mulf %get3A_16, %mul3A : vector<512x128xf32>
    %swap3A_18 = arith.constant 0 : index
    %swap3A_19 = arith.constant 0 : index
    %swap3A_20 = vector.load %arg3[%swap3A_18, %swap3A_19] : memref<512x128xf32, #tpu.memory_space<vmem>>, vector<512x128xf32>
    tpu.vector_store %arg3[%swap3A_18, %swap3A_19], %mul3A_17 {strides = array<i32>} : memref<512x128xf32, #tpu.memory_space<vmem>>, vector<512x128xf32>,
    return
  }
  func.func @transform_0(%arg0: i32) -> (i32, i32, i32) {
    %c0_i32 = arith.constant 0 : i32
    %c0_i32_0 = arith.constant 0 : i32
    %c0_i32_1 = arith.constant 0 : i32
    return %c0_i32, %arg0, %c0_i32_0 : i32, i32, i32
  }
  func.func @transform_1(%arg0: i32) -> (i32, i32) {
    %c0_i32 = arith.constant 0 : i32
    %c0_i32_0 = arith.constant 0 : i32
    return %arg0, %c0_i32 : i32, i32
  }
  func.func @transform_2(%arg0: i32) -> (i32, i32) {
    %c0_i32 = arith.constant 0 : i32
    %c0_i32_0 = arith.constant 0 : i32
    return %arg0, %c0_i32 : i32, i32
  }
  func.func @transform_3(%arg0: i32) -> (i32, i32) {
    %c0_i32 = arith.constant 0 : i32
    %c0_i32_0 = arith.constant 0 : i32
    return %arg0, %c0_i32 : i32, i32
  }
}

module attributes {stable_mosaic.version = 14 : i64} {
  func.func @_mm_body(%arg0: i32, %arg1: memref<512x128xf32, #tpu.memory_space<vmem>>, %arg2: memref<128x128xf32, #tpu.memory_space<vmem>>, %arg3: memref<512x128xf32, #tpu.memory_space<vmem>>) attributes {dimension_semantics = [#tpu.dimension_semantics<arbitrary>], iteration_bounds = array<i64: 20>, scalar_prefetch = 0 : i64, scratch_operands = 0 : i64, tpu.core_type = #tpu.core_type<tc>, window_params = [{transform_indices = @transform_0, window_bounds = array<i64: 512, 128>}, {pipeline_mode = #tpu.pipeline_mode<synchronous>, transform_indices = @transform_1, window_bounds = array<i64: 128, 128>}, {transform_indices = @transform_2, window_bounds = array<i64: 512, 128>}]} {
    %get3A = arith.constant 0 : index
    %get3A_0 = arith.constant 0 : index
    %get3A_1 = vector.load %arg1[%get3A, %get3A_0] : memref<512x128xf32, #tpu.memory_space<vmem>>, vector<512x128xf32>
    %get3A_2 = arith.constant 0 : index
    %get3A_3 = arith.constant 0 : index
    %get3A_4 = vector.load %arg2[%get3A_2, %get3A_3] : memref<128x128xf32, #tpu.memory_space<vmem>>, vector<128x128xf32>
    %dot_general3A = arith.constant dense<0.000000e+00> : vector<512x128xf32>
    %dot_general3A_5 = tpu.matmul %get3A_1, %get3A_4, %dot_general3A {dimension_numbers = #tpu.dot_dimension_numbers<[1], [0], [0], [1], [0, 0, 1, 1], [], []>, transpose_lhs_hint = false} : vector<512x128xf32>, vector<128x128xf32>, vector<512x128xf32> -> vector<512x128xf32>
    %swap3A = arith.constant 0 : index
    %swap3A_6 = arith.constant 0 : index
    %swap3A_7 = vector.load %arg3[%swap3A, %swap3A_6] : memref<512x128xf32, #tpu.memory_space<vmem>>, vector<512x128xf32>
    tpu.vector_store %arg3[%swap3A, %swap3A_6], %dot_general3A_5 {strides = array<i32>} : memref<512x128xf32, #tpu.memory_space<vmem>>, vector<512x128xf32>,
    return
  }
  func.func @transform_0(%arg0: i32) -> (i32, i32) {
    %c0_i32 = arith.constant 0 : i32
    %c0_i32_0 = arith.constant 0 : i32
    return %arg0, %c0_i32 : i32, i32
  }
  func.func @transform_1(%arg0: i32) -> (i32, i32) {
    %c0_i32 = arith.constant 0 : i32
    %c0_i32_0 = arith.constant 0 : i32
    %c0_i32_1 = arith.constant 0 : i32
    return %c0_i32, %c0_i32_0 : i32, i32
  }
  func.func @transform_2(%arg0: i32) -> (i32, i32) {
    %c0_i32 = arith.constant 0 : i32
    %c0_i32_0 = arith.constant 0 : i32
    return %arg0, %c0_i32 : i32, i32
  }
}

module attributes {stable_mosaic.version = 14 : i64} {
  func.func @_layer_body(%arg0: i32, %arg1: memref<2x512x128xf32, #tpu.memory_space<vmem>>, %arg2: memref<512x128xf32, #tpu.memory_space<vmem>>, %arg3: memref<512x1xf32, #tpu.memory_space<vmem>>, %arg4: memref<1x128xf32, #tpu.memory_space<vmem>>, %arg5: memref<128x128xf32, #tpu.memory_space<vmem>>, %arg6: memref<512x128xf32, #tpu.memory_space<vmem>>) attributes {dimension_semantics = [#tpu.dimension_semantics<arbitrary>], iteration_bounds = array<i64: 20>, scalar_prefetch = 0 : i64, scratch_operands = 0 : i64, tpu.core_type = #tpu.core_type<tc>, window_params = [{transform_indices = @transform_0, window_bounds = array<i64: 2, 512, 128>}, {transform_indices = @transform_1, window_bounds = array<i64: 512, 128>}, {transform_indices = @transform_2, window_bounds = array<i64: 512, 1>}, {pipeline_mode = #tpu.pipeline_mode<synchronous>, transform_indices = @transform_3, window_bounds = array<i64: 1, 128>}, {pipeline_mode = #tpu.pipeline_mode<synchronous>, transform_indices = @transform_4, window_bounds = array<i64: 128, 128>}, {transform_indices = @transform_5, window_bounds = array<i64: 512, 128>}]} {
    %get3A = arith.constant 0 : index
    %get3A_0 = arith.constant 0 : index
    %get3A_1 = vector.load %arg3[%get3A, %get3A_0] : memref<512x1xf32, #tpu.memory_space<vmem>>, vector<512x1xf32>
    %get3A_2 = arith.constant 0 : index
    %get3A_3 = arith.constant 0 : index
    %get3A_4 = arith.constant 0 : index
    %get3A_5 = vector.load %arg1[%get3A_2, %get3A_3, %get3A_4] : memref<2x512x128xf32, #tpu.memory_space<vmem>>, vector<1x512x128xf32>
    %get3A_6 = vector.shape_cast %get3A_5 : vector<1x512x128xf32> to vector<512x128xf32>
    %get3A_7 = arith.constant 1 : index
    %get3A_8 = arith.constant 0 : index
    %get3A_9 = arith.constant 0 : index
    %get3A_10 = vector.load %arg1[%get3A_7, %get3A_8, %get3A_9] : memref<2x512x128xf32, #tpu.memory_space<vmem>>, vector<1x512x128xf32>
    %get3A_11 = vector.shape_cast %get3A_10 : vector<1x512x128xf32> to vector<512x128xf32>
    %add3A = arith.addf %get3A_6, %get3A_11 : vector<512x128xf32>
    %get3A_12 = arith.constant 0 : index
    %get3A_13 = arith.constant 0 : index
    %get3A_14 = vector.load %arg2[%get3A_12, %get3A_13] : memref<512x128xf32, #tpu.memory_space<vmem>>, vector<512x128xf32>
    %add3A_15 = arith.addf %add3A, %get3A_14 : vector<512x128xf32>
    %mul3A = vector.broadcast %get3A_1 : vector<512x1xf32> to vector<512x128xf32>
    %mul3A_16 = arith.mulf %mul3A, %add3A_15 : vector<512x128xf32>
    %get3A_17 = arith.constant 0 : index
    %get3A_18 = arith.constant 0 : index
    %get3A_19 = vector.load %arg4[%get3A_17, %get3A_18] : memref<1x128xf32, #tpu.memory_space<vmem>>, vector<1x128xf32>
    %add3A_20 = vector.broadcast %get3A_19 : vector<1x128xf32> to vector<512x128xf32>
    %add3A_21 = arith.addf %mul3A_16, %add3A_20 : vector<512x128xf32>
    %max3A = arith.constant 0.000000e+00 : f32
    %max3A_22 = vector.broadcast %max3A : f32 to vector<512x128xf32>
    %max3A_23 = arith.maximumf %add3A_21, %max3A_22 : vector<512x128xf32>
    %get3A_24 = arith.constant 0 : index
    %get3A_25 = arith.constant 0 : index
    %get3A_26 = vector.load %arg5[%get3A_24, %get3A_25] : memref<128x128xf32, #tpu.memory_space<vmem>>, vector<128x128xf32>
    %dot_general3A = arith.constant dense<0.000000e+00> : vector<512x128xf32>
    %dot_general3A_27 = tpu.matmul %max3A_23, %get3A_26, %dot_general3A {dimension_numbers = #tpu.dot_dimension_numbers<[1], [0], [0], [1], [0, 0, 1, 1], [], []>, transpose_lhs_hint = false} : vector<512x128xf32>, vector<128x128xf32>, vector<512x128xf32> -> vector<512x128xf32>
    %mul3A_28 = vector.broadcast %get3A_1 : vector<512x1xf32> to vector<512x128xf32>
    %mul3A_29 = arith.mulf %dot_general3A_27, %mul3A_28 : vector<512x128xf32>
    %swap3A = arith.constant 0 : index
    %swap3A_30 = arith.constant 0 : index
    %swap3A_31 = vector.load %arg6[%swap3A, %swap3A_30] : memref<512x128xf32, #tpu.memory_space<vmem>>, vector<512x128xf32>
    tpu.vector_store %arg6[%swap3A, %swap3A_30], %mul3A_29 {strides = array<i32>} : memref<512x128xf32, #tpu.memory_space<vmem>>, vector<512x128xf32>,
    return
  }
  func.func @transform_0(%arg0: i32) -> (i32, i32, i32) {
    %c0_i32 = arith.constant 0 : i32
    %c0_i32_0 = arith.constant 0 : i32
    %c0_i32_1 = arith.constant 0 : i32
    return %c0_i32, %arg0, %c0_i32_0 : i32, i32, i32
  }
  func.func @transform_1(%arg0: i32) -> (i32, i32) {
    %c0_i32 = arith.constant 0 : i32
    %c0_i32_0 = arith.constant 0 : i32
    return %arg0, %c0_i32 : i32, i32
  }
  func.func @transform_2(%arg0: i32) -> (i32, i32) {
    %c0_i32 = arith.constant 0 : i32
    %c0_i32_0 = arith.constant 0 : i32
    return %arg0, %c0_i32 : i32, i32
  }
  func.func @transform_3(%arg0: i32) -> (i32, i32) {
    %c0_i32 = arith.constant 0 : i32
    %c0_i32_0 = arith.constant 0 : i32
    %c0_i32_1 = arith.constant 0 : i32
    return %c0_i32, %c0_i32_0 : i32, i32
  }
  func.func @transform_4(%arg0: i32) -> (i32, i32) {
    %c0_i32 = arith.constant 0 : i32
    %c0_i32_0 = arith.constant 0 : i32
    %c0_i32_1 = arith.constant 0 : i32
    return %c0_i32, %c0_i32_0 : i32, i32
  }
  func.func @transform_5(%arg0: i32) -> (i32, i32) {
    %c0_i32 = arith.constant 0 : i32
    %c0_i32_0 = arith.constant 0 : i32
    return %arg0, %c0_i32 : i32, i32
  }
}

module attributes {stable_mosaic.version = 14 : i64} {
  func.func @_final_body(%arg0: i32, %arg1: memref<2x400x128xf32, #tpu.memory_space<vmem>>, %arg2: memref<400x128xf32, #tpu.memory_space<vmem>>, %arg3: memref<400x1xf32, #tpu.memory_space<vmem>>, %arg4: memref<1x128xf32, #tpu.memory_space<vmem>>, %arg5: memref<400x128xf32, #tpu.memory_space<vmem>>) attributes {dimension_semantics = [#tpu.dimension_semantics<arbitrary>], iteration_bounds = array<i64: 25>, scalar_prefetch = 0 : i64, scratch_operands = 0 : i64, tpu.core_type = #tpu.core_type<tc>, window_params = [{transform_indices = @transform_0, window_bounds = array<i64: 2, 400, 128>}, {transform_indices = @transform_1, window_bounds = array<i64: 400, 128>}, {transform_indices = @transform_2, window_bounds = array<i64: 400, 1>}, {pipeline_mode = #tpu.pipeline_mode<synchronous>, transform_indices = @transform_3, window_bounds = array<i64: 1, 128>}, {transform_indices = @transform_4, window_bounds = array<i64: 400, 128>}]} {
    %get3A = arith.constant 0 : index
    %get3A_0 = arith.constant 0 : index
    %get3A_1 = vector.load %arg3[%get3A, %get3A_0] : memref<400x1xf32, #tpu.memory_space<vmem>>, vector<400x1xf32>
    %get3A_2 = arith.constant 0 : index
    %get3A_3 = arith.constant 0 : index
    %get3A_4 = arith.constant 0 : index
    %get3A_5 = vector.load %arg1[%get3A_2, %get3A_3, %get3A_4] : memref<2x400x128xf32, #tpu.memory_space<vmem>>, vector<1x400x128xf32>
    %get3A_6 = vector.shape_cast %get3A_5 : vector<1x400x128xf32> to vector<400x128xf32>
    %get3A_7 = arith.constant 1 : index
    %get3A_8 = arith.constant 0 : index
    %get3A_9 = arith.constant 0 : index
    %get3A_10 = vector.load %arg1[%get3A_7, %get3A_8, %get3A_9] : memref<2x400x128xf32, #tpu.memory_space<vmem>>, vector<1x400x128xf32>
    %get3A_11 = vector.shape_cast %get3A_10 : vector<1x400x128xf32> to vector<400x128xf32>
    %add3A = arith.addf %get3A_6, %get3A_11 : vector<400x128xf32>
    %get3A_12 = arith.constant 0 : index
    %get3A_13 = arith.constant 0 : index
    %get3A_14 = vector.load %arg2[%get3A_12, %get3A_13] : memref<400x128xf32, #tpu.memory_space<vmem>>, vector<400x128xf32>
    %add3A_15 = arith.addf %add3A, %get3A_14 : vector<400x128xf32>
    %mul3A = vector.broadcast %get3A_1 : vector<400x1xf32> to vector<400x128xf32>
    %mul3A_16 = arith.mulf %mul3A, %add3A_15 : vector<400x128xf32>
    %get3A_17 = arith.constant 0 : index
    %get3A_18 = arith.constant 0 : index
    %get3A_19 = vector.load %arg4[%get3A_17, %get3A_18] : memref<1x128xf32, #tpu.memory_space<vmem>>, vector<1x128xf32>
    %add3A_20 = vector.broadcast %get3A_19 : vector<1x128xf32> to vector<400x128xf32>
    %add3A_21 = arith.addf %mul3A_16, %add3A_20 : vector<400x128xf32>
    %max3A = arith.constant 0.000000e+00 : f32
    %max3A_22 = vector.broadcast %max3A : f32 to vector<400x128xf32>
    %max3A_23 = arith.maximumf %add3A_21, %max3A_22 : vector<400x128xf32>
    %swap3A = arith.constant 0 : index
    %swap3A_24 = arith.constant 0 : index
    %swap3A_25 = vector.load %arg5[%swap3A, %swap3A_24] : memref<400x128xf32, #tpu.memory_space<vmem>>, vector<400x128xf32>
    tpu.vector_store %arg5[%swap3A, %swap3A_24], %max3A_23 {strides = array<i32>} : memref<400x128xf32, #tpu.memory_space<vmem>>, vector<400x128xf32>,
    return
  }
  func.func @transform_0(%arg0: i32) -> (i32, i32, i32) {
    %c0_i32 = arith.constant 0 : i32
    %c0_i32_0 = arith.constant 0 : i32
    %c0_i32_1 = arith.constant 0 : i32
    return %c0_i32, %arg0, %c0_i32_0 : i32, i32, i32
  }
  func.func @transform_1(%arg0: i32) -> (i32, i32) {
    %c0_i32 = arith.constant 0 : i32
    %c0_i32_0 = arith.constant 0 : i32
    return %arg0, %c0_i32 : i32, i32
  }
  func.func @transform_2(%arg0: i32) -> (i32, i32) {
    %c0_i32 = arith.constant 0 : i32
    %c0_i32_0 = arith.constant 0 : i32
    return %arg0, %c0_i32 : i32, i32
  }
  func.func @transform_3(%arg0: i32) -> (i32, i32) {
    %c0_i32 = arith.constant 0 : i32
    %c0_i32_0 = arith.constant 0 : i32
    %c0_i32_1 = arith.constant 0 : i32
    return %c0_i32, %c0_i32_0 : i32, i32
  }
  func.func @transform_4(%arg0: i32) -> (i32, i32) {
    %c0_i32 = arith.constant 0 : i32
    %c0_i32_0 = arith.constant 0 : i32
    return %arg0, %c0_i32 : i32, i32
  }
}

</mosaic_0001>

<sc_bundles>
// kernel: kernel.12.cloned.1.call-start
scs
__scs_entry_jumppad:
0x0: {  	(pc) =	sbr.rel $0x88, $3  }
0x1: {  	(tag) =	ssettag $0x0;
	lr =	simm.s32 $0x1  }
0x2: {  	[smem:$0x3F9B] =	sst lr;
	_ =	strace $0xD0000000  }
0x3: {  	_ = 	snop  }
0x4: {  	_ = 	snop  }
0x5: {  	_ = 	snop  }
0x6: {  	_ = 	snop  }
0x7: {  	_ = 	snop  }
__scs_overlays_trampoline_lowered:
0x8: {  	[smem:$0x3FAA] =	sst s0  }
0x9: {  	[smem:$0x3FAB] =	sst s1  }
0xa: {  	[smem:$0x3FAC] =	sst s2  }
0xb: {  	[smem:$0x3FAD] =	sst s3  }
0xc: {  	[smem:$0x3FAE] =	sst s4  }
0xd: {  	[smem:$0x3FAF] =	sst s5  }
0xe: {  	[smem:$0x3FB0] =	sst s6  }
0xf: {  	[smem:$0x3FB1] =	sst s7  }
0x10: {  	[smem:$0x3FB2] =	sst s8  }
0x11: {  	[smem:$0x3FB3] =	sst s9;
	s0 =	simm.s32 @!p0 $0x0  }
0x12: {  	s1 =	sld [smem:$0x3F99];
	s0 =	simm.s32 @p0 $0x1  }
0x13: {  	[smem:$0x3FB4] =	sst s0;
	s0 =	simm.s32 @!p1 $0x0  }
0x14: {  	s2 =	sld [smem:$0x3F98];
	s0 =	simm.s32 @p1 $0x1  }
0x15: {  	[smem:$0x3FB5] =	sst s0;
	s0 =	simm.s32 @!p2 $0x0  }
0x16: {  	s3 =	sld [smem:$0x3FDB];
	s0 =	simm.s32 @p2 $0x1  }
0x17: {  	s4 =	simm.s32 $0x1BF5;
	[smem:$0x3FB7] =	sst s0  }
0x18: {  	s0 =	sld [smem:$0x3F9A];
	_ =	swait.ge [sflag:s4], $0x0  }
0x19: {  	s7 =	sld [smem:$0x3F9B]  }
0x1a: {  	s8 =	sadd.s32 $0xFFFFE003, lr  }
0x1b: {  	s9 =	sadd.s32 $0xFFFFFEF7, lr;
	s5 =	simm.s32 $0xFFFFFFFF;
	p2 =	slt.u32 s8, $0xFFFFF086  }
0x1c: {  	p1 =	slt.u32 s9, $0xF7A;
	s5 =	simm.s32 @!p2 $0x0  }
0x1d: {  	s5 =	simm.s32 @p1 $0x1;
	p0 =	seq.s32 s7, s2  }
0x1e: {  	s7 =	smul.u32 @!p0 $0xF7A, s2;
	p2 =	seq.s32 @!p0 s5, $0x0  }
0x1f: {  	s9 =	smul.u32 $0xF7A, s1;
	s8 =	simm.s32 @!p0 $0x1BF5;
	p2 =	por !p2, p0  }
0x20: {  	[sflag:s8] =	ssyncset.s32 @!p0 $0xFFFFF086;
	s6 =	sadd.s32 @!p0 s3, s7;
	s7 =	simm.s32 @!p0 $0x108  }
0x21: {  	s3 =	sadd.s32 s3, s9;
	s6 =	sadd.s32 @!p0 $0x88, s6;
	s7 =	simm.s32 @p2 $0x1082  }
0x22: {  	[simem:s7], [sflag:s8] =	dma.local @!p0 [hbm:s6], $0xF7A  }
0x23: {  	s9 =	sor.u32 $0xD0000000, s2;
	s6 =	simm.s32 $0x108;
	_ =	swait.ge @!p0 [sflag:s8], $0x0  }
0x24: {  	s3 =	sadd.s32 $0x88, s3;
	s6 =	simm.s32 @!p1 $0x1082;
	[sflag:s4] =	ssyncset.s32 $0xFFFFF086  }
0x25: {  	[simem:s6], [sflag:s4] =	dma.local [hbm:s3], $0xF7A  }
0x26: {  	[smem:$0x3F9B] =	sst s1;
	(tag) =	ssettag s2;
	_ =	strace s9  }
0x27: {  	s1 =	sld [smem:$0x3FAB]  }
0x28: {  	s2 =	sld [smem:$0x3FAC]  }
0x29: {  	s4 =	sld [smem:$0x3FAE]  }
0x2a: {  	p0 =	seq.s32 s5, $0x0;
	s5 =	sld [smem:$0x3FAF]  }
0x2b: {  	s6 =	sld [smem:$0x3FB0]  }
0x2c: {  	s7 =	sld [smem:$0x3FB1]  }
0x2d: {  	s3 =	simm.s32 $0x108;
	s8 =	sld [smem:$0x3FB2]  }
0x2e: {  	s3 =	simm.s32 @!p0 $0x1082;
	s9 =	sld [smem:$0x3FB3]  }
0x2f: {  	lr =	sadd.s32 s0, s3;
	s0 =	sld [smem:$0x3FAA]  }
0x30: {  	s3 =	sld [smem:$0x3FAD]  }
0x31: {  	[smem:$0x3FB6] =	sst s10  }
0x32: {  	s10 =	sld [smem:$0x3FB4];
	_ =	sdelay $0x3  }
0x33: {  	p0 =	seq.s32 s10, $0x1;
	s10 =	sld [smem:$0x3FB6];
	_ =	sdelay $0x3  }
0x34: {  	[smem:$0x3FB6] =	sst s10  }
0x35: {  	s10 =	sld [smem:$0x3FB5];
	_ =	sdelay $0x3  }
0x36: {  	p1 =	seq.s32 s10, $0x1;
	s10 =	sld [smem:$0x3FB6];
	_ =	sdelay $0x3  }
0x37: {  	[smem:$0x3FB6] =	sst s10  }
0x38: {  	s10 =	sld [smem:$0x3FB7]  }
0x39: {  	_ = 	snop;
	(pc) =	sbr.ind lr, $3  }
0x3a: {  	_ = 	snop  }
0x3b: {  	_ = 	snop  }
0x3c: {  	p2 =	seq.s32 s10, $0x1;
	s10 =	sld [smem:$0x3FB6]  }
0x3d: {  	_ =	shalt  }
0x3e: {  	_ =	shalt  }
0x3f: {  	_ =	shalt  }
0x40: {  	_ =	shalt  }
0x41: {  	_ =	shalt  }
0x42: {  	_ =	shalt  }
0x43: {  	_ =	shalt  }
0x44: {  	_ =	shalt  }
0x45: {  	_ =	shalt  }
0x46: {  	_ =	shalt  }
0x47: {  	_ =	shalt  }
0x48: {  	_ =	shalt  }
0x49: {  	_ =	shalt  }
0x4a: {  	_ =	shalt  }
0x4b: {  	_ =	shalt  }
0x4c: {  	_ =	shalt  }
0x4d: {  	_ =	shalt  }
0x4e: {  	_ =	shalt  }
0x4f: {  	_ =	shalt  }
0x50: {  	_ =	shalt  }
0x51: {  	_ =	shalt  }
0x52: {  	_ =	shalt  }
0x53: {  	_ =	shalt  }
0x54: {  	_ =	shalt  }
0x55: {  	_ =	shalt  }
0x56: {  	_ =	shalt  }
0x57: {  	_ =	shalt  }
0x58: {  	_ =	shalt  }
0x59: {  	_ =	shalt  }
0x5a: {  	_ =	shalt  }
0x5b: {  	_ =	shalt  }
0x5c: {  	_ =	shalt  }
0x5d: {  	_ =	shalt  }
0x5e: {  	_ =	shalt  }
0x5f: {  	_ =	shalt  }
0x60: {  	_ =	shalt  }
0x61: {  	_ =	shalt  }
0x62: {  	_ =	shalt  }
0x63: {  	_ =	shalt  }
0x64: {  	_ =	shalt  }
0x65: {  	_ =	shalt  }
0x66: {  	_ =	shalt  }
0x67: {  	_ =	shalt  }
0x68: {  	_ =	shalt  }
0x69: {  	_ =	shalt  }
0x6a: {  	_ =	shalt  }
0x6b: {  	_ =	shalt  }
0x6c: {  	_ =	shalt  }
0x6d: {  	_ =	shalt  }
0x6e: {  	_ =	shalt  }
0x6f: {  	_ =	shalt  }
0x70: {  	_ =	shalt  }
0x71: {  	_ =	shalt  }
0x72: {  	_ =	shalt  }
0x73: {  	_ =	shalt  }
0x74: {  	_ =	shalt  }
0x75: {  	_ =	shalt  }
0x76: {  	_ =	shalt  }
0x77: {  	_ =	shalt  }
0x78: {  	_ =	shalt  }
0x79: {  	_ =	shalt  }
0x7a: {  	_ =	shalt  }
0x7b: {  	_ =	shalt  }
0x7c: {  	_ =	shalt  }
0x7d: {  	_ =	shalt  }
0x7e: {  	_ =	shalt  }
0x7f: {  	_ =	shalt  }
0x80: {  	_ =	shalt  }
0x81: {  	_ =	shalt  }
0x82: {  	_ =	shalt  }
0x83: {  	_ =	shalt  }
0x84: {  	_ =	shalt  }
0x85: {  	_ =	shalt  }
0x86: {  	_ =	shalt  }
0x87: {  	_ =	shalt  }
.Lfunc_end0:
.L_simem_size_0:
called_computation.1_lowered:
.L_overlay_start_0:
0x88: {  	s2 =	sld [smem:$0x3FD9]  }
0x89: {  	s3 =	sld [smem:$0x3FFE];
	_ =	sdelay $0x1  }
0x8a: {  	s1 =	srdreg.scid  }
0x8b: {  	s0 =	sand.u32 $0x1, s1  }
0x8c: {  	s17 =	sshll.u32 s0, $0xA;
	s2 =	sadd.s32 s3, s2  }
0x8d: {  	s2 =	sadd.s32 s2, s17  }
0x8e: {  	[smem:$0x3FC2] =	sst s2  }
0x8f: {  	_ = 	snop  }
0x90: {  	s2 =	sld [smem:$0x3FD0];
	(tm) =	ssettm $0x1  }
0x91: {  	s18 =	sld [smem:$0x3FFB];
	_ =	sdelay $0x3  }
0x92: {  	_ =	strace s18  }
0x93: {  	s3 =	sld [smem:$0x3FFC];
	_ =	sdelay $0x3  }
0x94: {  	_ =	strace s3  }
0x95: {  	s3 =	sld [smem:$0x3FFD];
	_ =	sdelay $0x3  }
0x96: {  	_ =	strace s3  }
0x97: {  	_ =	strace $0x8FFFFFFF  }
0x98: {  	s19 =	sld [smem:$0x3FDB];
	_ =	sdelay $0x1  }
0x99: {  	s4 =	simm.s32 $_scs_section_size  }
0x9a: {  	s5 =	simm.s32 $_size__tile_overlayer_lowered;
	s6 =	simm.s32 $_tile_overlayer_lowered  }
0x9b: {  	s22 =	simm.s32 $0x1BFF;
	s21 =	sshll.u32 s6, $0x1;
	s3 =	sadd.s32 s4, s19  }
0x9c: {  	s7 =	simm.s32 $0x0;
	s20 =	sshll.u32 s5, $0x1;
	s5 =	sadd.s32 s21, s3  }
0x9d: {  	[timem:s7], [sflag:s22] =	dma.local [hbm:s5], s20  }
0x9e: {  	_ =	swait.ge [sflag:s22], s20  }
0x9f: {  	s4 =	ssub.s32 $0x0, s20;
	[sflag:s22] =	ssyncset.done $0x0  }
0xa0: {  	[sflag:s22] =	ssyncadd.s32 s4;
	_ =	sdelay $0x1  }
0xa1: {  	s23 =	simm.s32 $0x1B8B  }
0xa2: {  	_ =	swait.ge [sflag:s23], $0x1  }
0xa3: {  	[sflag:s23] =	ssyncset.done $0x0  }
0xa4: {  	s25 =	simm.s32 $0x1B8E;
	s24 =	sld [smem:$0x3FFE];
	[sflag:s23] =	ssyncadd.s32 $0xFFFFFFFF  }
0xa5: {  	s26 =	simm.s32 $execute0_lowered;
	[smem:$0x3FD2] =	sst s25  }
0xa6: {  	s5 =	sshll.u32 s26, $0x1;
	_ =	strace $0x80000049;
	[dreg:$0x1] =	wrdreg $0xFFFFFFFF  }
0xa7: {  	s28 =	simm.s32 $_size_execute0_lowered;
	s3 =	sadd.s32 s3, s5;
	[dreg:$0x0] =	wrdreg $0x0  }
0xa8: {  	s5 =	sshll.u32 s28, $0x1;
	[dreg:$0x2] =	wrdreg s3  }
0xa9: {  	[dreg:$0x3] =	wrdreg s5  }
0xaa: {  	[dreg:$0x4] =	wrdreg $0xC0  }
0xab: {  	_ =	task [dreg:s7], $0x5FFFF  }
0xac: {  	[dreg:$0x1] =	wrdreg $0xFFFFFFFF  }
0xad: {  	[dreg:$0x0] =	wrdreg $0x60  }
0xae: {  	[dreg:$0x2] =	wrdreg s24  }
0xaf: {  	[dreg:$0x3] =	wrdreg s2  }
0xb0: {  	[dreg:$0x4] =	wrdreg $0xA8000  }
0xb1: {  	[dreg:$0x5] =	wrdreg $0x9  }
0xb2: {  	_ =	task.clear_ibuf [dreg:s7], $0x6FFFF;
	_ =	strace $0x90000049  }
0xb3: {  	s29 =	simm.s32 $0x9;
	_ =	strace $0x8000004B  }
0xb4: {  	_ =	swait.ge [sflag:s29], $0x1  }
0xb5: {  	[sflag:s29] =	ssyncadd.s32 $0xFFFFFFFF  }
0xb6: {  	_ =	strace $0x9000004B  }
0xb7: {  	_ =	sfence  }
0xb8: {  	s30 =	sld [smem:$0x0];
	_ =	sdelay $0x2  }
0xb9: {  	s31 =	sshll.u32 s1, $0xD;
	s1 =	sshrl.u32 s1, $0x2  }
0xba: {  	s3 =	sand.u32 $0x4000, s31;
	s1 =	sadd.s32 s1, s30  }
0xbb: {  	s0 =	sor.u32 s3, s0;
	s1 =	sshll.u32 s1, $0x11  }
0xbc: {  	s0 =	sor.u32 s1, s0  }
0xbd: {  	s0 =	sadd.s32 $0x8F2B, s0  }
0xbe: {  	[sflag:s0] =	ssyncadd.remote.s32 $0x1  }
0xbf: {  	_ =	sfence.sel $0xFFFF  }
0xc0: {  	[dreg:$0x0] =	wrdreg $0xFFFFFFFF;
	(pc) =	sbr.abs _section_cstart, $3  }
0xc1: {  	[dreg:$0x1] =	wrdreg $0xFFFFFFFF  }
0xc2: {  	_ =	task.clear_ibuf [dreg:s7], $0x2FFFF;
	_ =	strace $0x9FFFFFFF  }
0xc3: {  	(tm) =	ssettm $0x7FFFFFFF  }
tec
execute0_lowered:
.L_overlay_start_1:
0x0: {  	(tag) =	ssettag $0x1  }
0x1: {  	s5 =	rddreg [dreg:$0x0]  }
0x2: {  	s9 =	rddreg [dreg:$0x1]  }
0x3: {  	s2 =	rddreg [dreg:$0x2]  }
0x4: {  	s0 =	rddreg [dreg:$0x3];
	s3 =	simm.s32 $0x0  }
0x5: {  	s1 =	stileid.u32;
	s4 =	srdreg.scid;
	s16 =	simm.s32 $0x2800  }
0x6: {  	[smem:$0x7FF] =	sst s3;
	s17 =	smul.u32 $0x2800, s1;
	s6 =	sand.u32 $0x1, s4  }
0x7: {  	s4 =	sadd.s32 $0x35000, s5;
	s10 =	sadd.s32 $0x2800, s5;
	s11 =	sshll.u32 s1, $0x1  }
0x8: {  	s12 =	smul.u32 $0x50000, s1;
	s30 =	sshll.u32 s1, $0x6;
	_ =	strace $0x8000004A  }
0x9: {  	s7 =	smul.u32 $0x28000, s6;
	s24 =	ssub.s32 $0x2, s6;
	s6 =	sor.u32 s6, s11  }
0xa: {  	s8 =	sadd.s32 s17, s5;
	s25 =	sshrl.u32 s24, $0x1;
	s28 =	smul.u32 $0x2800, s6  }
0xb: {  	s26 =	sshrl.u32 s12, $0x2;
	s29 =	smul.u32 $0x500, s6;
	s6 =	sor.u32 $0x1C01, s30  }
0xc: {  	s13 =	sadd.s32 s7, s5;
	s14 =	ssub.s32 s24, s25;
	s15 =	sadd.s32 s26, s2  }
0xd: {  	s5 =	sadd.s32 $0xD000, s8;
	s31 =	sshrl.u32 s28, $0x3;
	s7 =	sadd.s32 s9, s29  }
0xe: {  	s8 =	sadd.s32 s10, s29;
	s18 =	sadd.s32 $0x5D000, s13;
	s11 =	smax.u32 s14, $0x1  }
0xf: {  	s13 =	simm.s32 $0x1;
	s14 =	simm.s32 $0x1400;
	s12 =	sadd.s32 $0x280, s31  }
0x10: {  	s17 =	sadd.s32 s17, s18;
	s18 =	simm.s32 $0x0;
	s9 =	sadd.s32 s9, s12  }
0x11: {  	s10 =	sadd.s32 s10, s12;
	s12 =	sshrl.u32 s15, $0x3;
	s15 =	simm.s32 $0x80  }
.LBB2_1:
0x12: {  	[spmem:s12], [sflag:s6] =	dma.local [hbm:s5], $0x2800  }
0x13: {  	_ =	swait.ge [sflag:s13], $0x2800  }
0x14: {  	[sflag:s13] =	ssyncset.done $0x0  }
0x15: {  	[sflag:s13] =	ssyncadd.s32 $0xFFFFD800  }
0x16: {  	[bflag:$0x0] =	sbarrier.arrive $0xFFFF  }
0x17: {  	[tilespmem:s3], [sflag:$0x1] =	stream.linear.gather [hbm4b:s7+s3], $0x1400, $0x38;
	[tilespmem:$0x1E800] =	vst v63  }
0x18: {  	_ =	swait.ge [sflag:s13], $0x1400  }
0x19: {  	[sflag:s13] =	ssyncset.done $0x0  }
0x1a: {  	[sflag:s13] =	ssyncadd.s32 $0xFFFFEC00  }
0x1b: {  	[tilespmem:s14], [sflag:$0x1] =	stream.linear.gather [hbm4b:s8+s3], $0x1400, $0x38;
	[tilespmem:$0x1E800] =	vst v63  }
0x1c: {  	_ =	swait.ge [sflag:s13], $0x1400  }
0x1d: {  	[sflag:s13] =	ssyncset.done $0x0  }
0x1e: {  	s19 =	simm.s32 $0x0;
	[sflag:s13] =	ssyncadd.s32 $0xFFFFEC00  }
0x1f: {  	[tilespmem:s16], [sflag:$0x1] =	stream.indirect.gather [hbm4b:s4+s15], $0x80, s19, s15, $0xb8;
	[tilespmem:$0x1E800] =	vst v63  }
0x20: {  	_ =	swait.ge [sflag:s13], $0x4000  }
0x21: {  	[sflag:s13] =	ssyncset.done $0x0  }
0x22: {  	s31 =	simm.s32 $0x1400;
	[sflag:s13] =	ssyncadd.s32 $0xFFFFC000  }
0x23: {  	[spmem:s2] =	stream.indirect.scatter.add.f32 [tilespmem:s16], [sflag:$0x1], $0x80, s31, s15, $0xb8;
	[tilespmem:$0x1E800] =	vst v63  }
0x24: {  	_ =	swait.ge [sflag:s13], $0x4000  }
0x25: {  	s20 =	simm.s32 $0x400;
	s19 =	simm.s32 $0x200;
	[sflag:s13] =	ssyncset.done $0x0  }
.LBB2_2:
0x26: {  	s21 =	sshra.s32 s19, $0x2  }
0x27: {  	[sflag:s13] =	ssyncadd.s32 $0xFFFFC000;
	s19 =	smov.u32 s20;
	s22 =	sadd.s32 $0x200, s20  }
0x28: {  	[tilespmem:s16], [sflag:$0x1] =	stream.indirect.gather [hbm4b:s4+s15], $0x80, s21, s15, $0xb8;
	[tilespmem:$0x1E800] =	vst v63  }
0x29: {  	p0 =	sne.s32 s20, $0x4E00;
	_ =	swait.ge [sflag:s13], $0x4000  }
.Ltmp0:
0x2a: {  	[sflag:s13] =	ssyncset.done $0x0;
	(pc) =	sbr.rel @p0 .LBB2_2-.Ltmp0, $4  }
0x2b: {  	s20 =	sadd.s32 $0x1400, s21;
	[sflag:s13] =	ssyncadd.s32 $0xFFFFC000  }
0x2c: {  	[spmem:s2] =	stream.indirect.scatter.add.f32 [tilespmem:s16], [sflag:$0x1], $0x80, s20, s15, $0xb8;
	[tilespmem:$0x1E800] =	vst v63  }
0x2d: {  	_ =	swait.ge [sflag:s13], $0x4000  }
0x2e: {  	s20 =	smov.u32 s22;
	[sflag:s13] =	ssyncset.done $0x0  }
0x2f: {  	s19 =	sshra.s32 s19, $0x2;
	[sflag:s13] =	ssyncadd.s32 $0xFFFFC000  }
0x30: {  	[tilespmem:s16], [sflag:$0x1] =	stream.indirect.gather [hbm4b:s4+s15], $0x80, s19, s15, $0xb8;
	[tilespmem:$0x1E800] =	vst v63  }
0x31: {  	_ =	swait.ge [sflag:s13], $0x4000  }
0x32: {  	[sflag:s13] =	ssyncset.done $0x0  }
0x33: {  	s19 =	sadd.s32 $0x1400, s19;
	[sflag:s13] =	ssyncadd.s32 $0xFFFFC000  }
0x34: {  	[spmem:s2] =	stream.indirect.scatter.add.f32 [tilespmem:s16], [sflag:$0x1], $0x80, s19, s15, $0xb8;
	[tilespmem:$0x1E800] =	vst v63  }
0x35: {  	_ =	swait.ge [sflag:s13], $0x4000  }
0x36: {  	[sflag:s13] =	ssyncset.done $0x0  }
0x37: {  	s29 =	simm.s32 $0x0;
	[sflag:s13] =	ssyncadd.s32 $0xFFFFC000  }
0x38: {  	[tilespmem:s29], [sflag:$0x1] =	stream.linear.gather [hbm4b:s9+s29], $0x1400, $0x38;
	[tilespmem:$0x1E800] =	vst v63  }
0x39: {  	_ =	swait.ge [sflag:s13], $0x1400  }
0x3a: {  	[sflag:s13] =	ssyncset.done $0x0  }
0x3b: {  	[sflag:s13] =	ssyncadd.s32 $0xFFFFEC00  }
0x3c: {  	[tilespmem:s14], [sflag:$0x1] =	stream.linear.gather [hbm4b:s10+s29], $0x1400, $0x38;
	[tilespmem:$0x1E800] =	vst v63  }
0x3d: {  	_ =	swait.ge [sflag:s13], $0x1400  }
0x3e: {  	[sflag:s13] =	ssyncset.done $0x0  }
0x3f: {  	s30 =	simm.s32 $0x0;
	[sflag:s13] =	ssyncadd.s32 $0xFFFFEC00  }
0x40: {  	[tilespmem:s16], [sflag:$0x1] =	stream.indirect.gather [hbm4b:s4+s15], $0x80, s30, s15, $0xb8;
	[tilespmem:$0x1E800] =	vst v63  }
0x41: {  	_ =	swait.ge [sflag:s13], $0x4000  }
0x42: {  	[sflag:s13] =	ssyncset.done $0x0  }
0x43: {  	s31 =	simm.s32 $0x1400;
	[sflag:s13] =	ssyncadd.s32 $0xFFFFC000  }
0x44: {  	[spmem:s2] =	stream.indirect.scatter.add.f32 [tilespmem:s16], [sflag:$0x1], $0x80, s31, s15, $0xb8;
	[tilespmem:$0x1E800] =	vst v63  }
0x45: {  	_ =	swait.ge [sflag:s13], $0x4000  }
0x46: {  	s20 =	simm.s32 $0x400;
	s19 =	simm.s32 $0x200;
	[sflag:s13] =	ssyncset.done $0x0  }
.LBB2_4:
0x47: {  	s21 =	sshra.s32 s19, $0x2  }
0x48: {  	[sflag:s13] =	ssyncadd.s32 $0xFFFFC000;
	s19 =	smov.u32 s20;
	s22 =	sadd.s32 $0x200, s20  }
0x49: {  	[tilespmem:s16], [sflag:$0x1] =	stream.indirect.gather [hbm4b:s4+s15], $0x80, s21, s15, $0xb8;
	[tilespmem:$0x1E800] =	vst v63  }
0x4a: {  	p0 =	sne.s32 s20, $0x4E00;
	_ =	swait.ge [sflag:s13], $0x4000  }
.Ltmp1:
0x4b: {  	[sflag:s13] =	ssyncset.done $0x0;
	(pc) =	sbr.rel @p0 .LBB2_4-.Ltmp1, $4  }
0x4c: {  	s20 =	sadd.s32 $0x1400, s21;
	[sflag:s13] =	ssyncadd.s32 $0xFFFFC000  }
0x4d: {  	[spmem:s2] =	stream.indirect.scatter.add.f32 [tilespmem:s16], [sflag:$0x1], $0x80, s20, s15, $0xb8;
	[tilespmem:$0x1E800] =	vst v63  }
0x4e: {  	_ =	swait.ge [sflag:s13], $0x4000  }
0x4f: {  	s20 =	smov.u32 s22;
	[sflag:s13] =	ssyncset.done $0x0  }
0x50: {  	s19 =	sshra.s32 s19, $0x2;
	[sflag:s13] =	ssyncadd.s32 $0xFFFFC000  }
0x51: {  	[tilespmem:s16], [sflag:$0x1] =	stream.indirect.gather [hbm4b:s4+s15], $0x80, s19, s15, $0xb8;
	[tilespmem:$0x1E800] =	vst v63  }
0x52: {  	_ =	swait.ge [sflag:s13], $0x4000  }
0x53: {  	[sflag:s13] =	ssyncset.done $0x0  }
0x54: {  	s19 =	sadd.s32 $0x1400, s19;
	[sflag:s13] =	ssyncadd.s32 $0xFFFFC000  }
0x55: {  	[spmem:s2] =	stream.indirect.scatter.add.f32 [tilespmem:s16], [sflag:$0x1], $0x80, s19, s15, $0xb8;
	[tilespmem:$0x1E800] =	vst v63  }
0x56: {  	_ =	swait.ge [sflag:s13], $0x4000  }
0x57: {  	s18 =	sadd.s32 $0x1, s18;
	[sflag:s13] =	ssyncset.done $0x0  }
0x58: {  	p0 =	sne.s32 s18, s11;
	[sflag:s13] =	ssyncadd.s32 $0xFFFFC000  }
.Ltmp2:
0x59: {  	[bflag:$0x0] =	sbarrier.arrive $0xFFFF;
	(pc) =	sbr.rel @p0 .LBB2_1-.Ltmp2, $4  }
0x5a: {  	[hbm:s17], [sflag:s6] =	dma.local [spmem:s12], $0x2800  }
0x5b: {  	_ =	swait.ge [sflag:s13], $0x2800  }
0x5c: {  	[sflag:s13] =	ssyncset.done $0x0  }
0x5d: {  	[sflag:s13] =	ssyncadd.s32 $0xFFFFD800  }
0x5e: {  	_ =	sfence.sel $0x180000  }
0x5f: {  	[bflag:$0x0] =	sbarrier.arrive $0xFFFF  }
0x60: {  	p0 =	sne.s32 s1, $0x0;
	_ =	strace $0x9000004A  }
0x61: {  	s0 =	sadd.s32 @!p0 $0x100000, s0;
	[bflag:$0x2] =	sbarrier.arrive $0xFFFF  }
0x62: {  	[sflag:s0] =	ssyncadd.tile.s32 @!p0 $0x1;
	_ =	shalt  }
.Lfunc_end2:
_tile_overlayer_lowered:
.L_overlay_start_2:
0x63: {  	(tag) =	ssettag $0x2  }
0x64: {  	s0 =	rddreg [dreg:$0x0];
	s2 =	stileid.u32  }
0x65: {  	s1 =	rddreg [dreg:$0x1];
	p0 =	sne.s32 s2, $0x0  }
0x66: {  	s3 =	rddreg [dreg:$0x2];
	[bflag:$0x3] =	sbarrier.arrive $0xFFFF;
	s2 =	simm.s32 @!p0 $0x1C01  }
0x67: {  	[timem:s3], [sflag:s2] =	dma.local @!p0 [hbm:s0], s1  }
0x68: {  	s0 =	simm.s32 @!p0 $0x1  }
0x69: {  	_ =	swait.ge @!p0 [sflag:s0], s1  }
0x6a: {  	s1 =	ssub.s32 @!p0 $0x0, s1;
	[sflag:s0] =	ssyncset.done @!p0 $0x0  }
0x6b: {  	[sflag:s0] =	ssyncadd.s32 @!p0 s1  }
0x6c: {  	[bflag:$0x3] =	sbarrier.arrive $0xFFFF  }
0x6d: {  	_ =	shalt  }

// kernel: kernel.15.cloned.1.call-start
scs
__scs_entry_jumppad:
0x0: {  	(pc) =	sbr.rel $0x88, $3  }
0x1: {  	(tag) =	ssettag $0x0;
	lr =	simm.s32 $0x1  }
0x2: {  	[smem:$0x3F9B] =	sst lr;
	_ =	strace $0xD0000000  }
0x3: {  	_ = 	snop  }
0x4: {  	_ = 	snop  }
0x5: {  	_ = 	snop  }
0x6: {  	_ = 	snop  }
0x7: {  	_ = 	snop  }
__scs_overlays_trampoline_lowered:
0x8: {  	[smem:$0x3FAA] =	sst s0  }
0x9: {  	[smem:$0x3FAB] =	sst s1  }
0xa: {  	[smem:$0x3FAC] =	sst s2  }
0xb: {  	[smem:$0x3FAD] =	sst s3  }
0xc: {  	[smem:$0x3FAE] =	sst s4  }
0xd: {  	[smem:$0x3FAF] =	sst s5  }
0xe: {  	[smem:$0x3FB0] =	sst s6  }
0xf: {  	[smem:$0x3FB1] =	sst s7  }
0x10: {  	[smem:$0x3FB2] =	sst s8  }
0x11: {  	[smem:$0x3FB3] =	sst s9;
	s0 =	simm.s32 @!p0 $0x0  }
0x12: {  	s1 =	sld [smem:$0x3F99];
	s0 =	simm.s32 @p0 $0x1  }
0x13: {  	[smem:$0x3FB4] =	sst s0;
	s0 =	simm.s32 @!p1 $0x0  }
0x14: {  	s2 =	sld [smem:$0x3F98];
	s0 =	simm.s32 @p1 $0x1  }
0x15: {  	[smem:$0x3FB5] =	sst s0;
	s0 =	simm.s32 @!p2 $0x0  }
0x16: {  	s3 =	sld [smem:$0x3FDB];
	s0 =	simm.s32 @p2 $0x1  }
0x17: {  	s4 =	simm.s32 $0x1BF5;
	[smem:$0x3FB7] =	sst s0  }
0x18: {  	s0 =	sld [smem:$0x3F9A];
	_ =	swait.ge [sflag:s4], $0x0  }
0x19: {  	s7 =	sld [smem:$0x3F9B]  }
0x1a: {  	s8 =	sadd.s32 $0xFFFFE003, lr  }
0x1b: {  	s9 =	sadd.s32 $0xFFFFFEF7, lr;
	s5 =	simm.s32 $0xFFFFFFFF;
	p2 =	slt.u32 s8, $0xFFFFF086  }
0x1c: {  	p1 =	slt.u32 s9, $0xF7A;
	s5 =	simm.s32 @!p2 $0x0  }
0x1d: {  	s5 =	simm.s32 @p1 $0x1;
	p0 =	seq.s32 s7, s2  }
0x1e: {  	s7 =	smul.u32 @!p0 $0xF7A, s2;
	p2 =	seq.s32 @!p0 s5, $0x0  }
0x1f: {  	s9 =	smul.u32 $0xF7A, s1;
	s8 =	simm.s32 @!p0 $0x1BF5;
	p2 =	por !p2, p0  }
0x20: {  	[sflag:s8] =	ssyncset.s32 @!p0 $0xFFFFF086;
	s6 =	sadd.s32 @!p0 s3, s7;
	s7 =	simm.s32 @!p0 $0x108  }
0x21: {  	s3 =	sadd.s32 s3, s9;
	s6 =	sadd.s32 @!p0 $0x88, s6;
	s7 =	simm.s32 @p2 $0x1082  }
0x22: {  	[simem:s7], [sflag:s8] =	dma.local @!p0 [hbm:s6], $0xF7A  }
0x23: {  	s9 =	sor.u32 $0xD0000000, s2;
	s6 =	simm.s32 $0x108;
	_ =	swait.ge @!p0 [sflag:s8], $0x0  }
0x24: {  	s3 =	sadd.s32 $0x88, s3;
	s6 =	simm.s32 @!p1 $0x1082;
	[sflag:s4] =	ssyncset.s32 $0xFFFFF086  }
0x25: {  	[simem:s6], [sflag:s4] =	dma.local [hbm:s3], $0xF7A  }
0x26: {  	[smem:$0x3F9B] =	sst s1;
	(tag) =	ssettag s2;
	_ =	strace s9  }
0x27: {  	s1 =	sld [smem:$0x3FAB]  }
0x28: {  	s2 =	sld [smem:$0x3FAC]  }
0x29: {  	s4 =	sld [smem:$0x3FAE]  }
0x2a: {  	p0 =	seq.s32 s5, $0x0;
	s5 =	sld [smem:$0x3FAF]  }
0x2b: {  	s6 =	sld [smem:$0x3FB0]  }
0x2c: {  	s7 =	sld [smem:$0x3FB1]  }
0x2d: {  	s3 =	simm.s32 $0x108;
	s8 =	sld [smem:$0x3FB2]  }
0x2e: {  	s3 =	simm.s32 @!p0 $0x1082;
	s9 =	sld [smem:$0x3FB3]  }
0x2f: {  	lr =	sadd.s32 s0, s3;
	s0 =	sld [smem:$0x3FAA]  }
0x30: {  	s3 =	sld [smem:$0x3FAD]  }
0x31: {  	[smem:$0x3FB6] =	sst s10  }
0x32: {  	s10 =	sld [smem:$0x3FB4];
	_ =	sdelay $0x3  }
0x33: {  	p0 =	seq.s32 s10, $0x1;
	s10 =	sld [smem:$0x3FB6];
	_ =	sdelay $0x3  }
0x34: {  	[smem:$0x3FB6] =	sst s10  }
0x35: {  	s10 =	sld [smem:$0x3FB5];
	_ =	sdelay $0x3  }
0x36: {  	p1 =	seq.s32 s10, $0x1;
	s10 =	sld [smem:$0x3FB6];
	_ =	sdelay $0x3  }
0x37: {  	[smem:$0x3FB6] =	sst s10  }
0x38: {  	s10 =	sld [smem:$0x3FB7]  }
0x39: {  	_ = 	snop;
	(pc) =	sbr.ind lr, $3  }
0x3a: {  	_ = 	snop  }
0x3b: {  	_ = 	snop  }
0x3c: {  	p2 =	seq.s32 s10, $0x1;
	s10 =	sld [smem:$0x3FB6]  }
0x3d: {  	_ =	shalt  }
0x3e: {  	_ =	shalt  }
0x3f: {  	_ =	shalt  }
0x40: {  	_ =	shalt  }
0x41: {  	_ =	shalt  }
0x42: {  	_ =	shalt  }
0x43: {  	_ =	shalt  }
0x44: {  	_ =	shalt  }
0x45: {  	_ =	shalt  }
0x46: {  	_ =	shalt  }
0x47: {  	_ =	shalt  }
0x48: {  	_ =	shalt  }
0x49: {  	_ =	shalt  }
0x4a: {  	_ =	shalt  }
0x4b: {  	_ =	shalt  }
0x4c: {  	_ =	shalt  }
0x4d: {  	_ =	shalt  }
0x4e: {  	_ =	shalt  }
0x4f: {  	_ =	shalt  }
0x50: {  	_ =	shalt  }
0x51: {  	_ =	shalt  }
0x52: {  	_ =	shalt  }
0x53: {  	_ =	shalt  }
0x54: {  	_ =	shalt  }
0x55: {  	_ =	shalt  }
0x56: {  	_ =	shalt  }
0x57: {  	_ =	shalt  }
0x58: {  	_ =	shalt  }
0x59: {  	_ =	shalt  }
0x5a: {  	_ =	shalt  }
0x5b: {  	_ =	shalt  }
0x5c: {  	_ =	shalt  }
0x5d: {  	_ =	shalt  }
0x5e: {  	_ =	shalt  }
0x5f: {  	_ =	shalt  }
0x60: {  	_ =	shalt  }
0x61: {  	_ =	shalt  }
0x62: {  	_ =	shalt  }
0x63: {  	_ =	shalt  }
0x64: {  	_ =	shalt  }
0x65: {  	_ =	shalt  }
0x66: {  	_ =	shalt  }
0x67: {  	_ =	shalt  }
0x68: {  	_ =	shalt  }
0x69: {  	_ =	shalt  }
0x6a: {  	_ =	shalt  }
0x6b: {  	_ =	shalt  }
0x6c: {  	_ =	shalt  }
0x6d: {  	_ =	shalt  }
0x6e: {  	_ =	shalt  }
0x6f: {  	_ =	shalt  }
0x70: {  	_ =	shalt  }
0x71: {  	_ =	shalt  }
0x72: {  	_ =	shalt  }
0x73: {  	_ =	shalt  }
0x74: {  	_ =	shalt  }
0x75: {  	_ =	shalt  }
0x76: {  	_ =	shalt  }
0x77: {  	_ =	shalt  }
0x78: {  	_ =	shalt  }
0x79: {  	_ =	shalt  }
0x7a: {  	_ =	shalt  }
0x7b: {  	_ =	shalt  }
0x7c: {  	_ =	shalt  }
0x7d: {  	_ =	shalt  }
0x7e: {  	_ =	shalt  }
0x7f: {  	_ =	shalt  }
0x80: {  	_ =	shalt  }
0x81: {  	_ =	shalt  }
0x82: {  	_ =	shalt  }
0x83: {  	_ =	shalt  }
0x84: {  	_ =	shalt  }
0x85: {  	_ =	shalt  }
0x86: {  	_ =	shalt  }
0x87: {  	_ =	shalt  }
.Lfunc_end0:
.L_simem_size_0:
called_computation.2_lowered:
.L_overlay_start_0:
0x88: {  	s2 =	sld [smem:$0x3FD9]  }
0x89: {  	s3 =	sld [smem:$0x3FFE];
	_ =	sdelay $0x1  }
0x8a: {  	s1 =	srdreg.scid  }
0x8b: {  	s0 =	sand.u32 $0x1, s1  }
0x8c: {  	s17 =	sshll.u32 s0, $0xA;
	s2 =	sadd.s32 s3, s2  }
0x8d: {  	s2 =	sadd.s32 s2, s17  }
0x8e: {  	[smem:$0x3FC2] =	sst s2  }
0x8f: {  	_ = 	snop  }
0x90: {  	s2 =	sld [smem:$0x3FD0];
	(tm) =	ssettm $0x1  }
0x91: {  	s18 =	sld [smem:$0x3FFB];
	_ =	sdelay $0x3  }
0x92: {  	_ =	strace s18  }
0x93: {  	s3 =	sld [smem:$0x3FFC];
	_ =	sdelay $0x3  }
0x94: {  	_ =	strace s3  }
0x95: {  	s3 =	sld [smem:$0x3FFD];
	_ =	sdelay $0x3  }
0x96: {  	_ =	strace s3  }
0x97: {  	_ =	strace $0x8FFFFFFF  }
0x98: {  	s19 =	sld [smem:$0x3FDB];
	_ =	sdelay $0x1  }
0x99: {  	s4 =	simm.s32 $_scs_section_size  }
0x9a: {  	s5 =	simm.s32 $_size__tile_overlayer_lowered;
	s6 =	simm.s32 $_tile_overlayer_lowered  }
0x9b: {  	s22 =	simm.s32 $0x1BFF;
	s21 =	sshll.u32 s6, $0x1;
	s3 =	sadd.s32 s4, s19  }
0x9c: {  	s7 =	simm.s32 $0x0;
	s20 =	sshll.u32 s5, $0x1;
	s5 =	sadd.s32 s21, s3  }
0x9d: {  	[timem:s7], [sflag:s22] =	dma.local [hbm:s5], s20  }
0x9e: {  	_ =	swait.ge [sflag:s22], s20  }
0x9f: {  	s4 =	ssub.s32 $0x0, s20;
	[sflag:s22] =	ssyncset.done $0x0  }
0xa0: {  	[sflag:s22] =	ssyncadd.s32 s4;
	_ =	sdelay $0x1  }
0xa1: {  	s23 =	simm.s32 $0x1B8B  }
0xa2: {  	_ =	swait.ge [sflag:s23], $0x1  }
0xa3: {  	[sflag:s23] =	ssyncset.done $0x0  }
0xa4: {  	s25 =	simm.s32 $0x1B8E;
	s24 =	sld [smem:$0x3FFE];
	[sflag:s23] =	ssyncadd.s32 $0xFFFFFFFF  }
0xa5: {  	s26 =	simm.s32 $execute0_lowered;
	[smem:$0x3FD2] =	sst s25  }
0xa6: {  	s5 =	sshll.u32 s26, $0x1;
	_ =	strace $0x8000004C;
	[dreg:$0x1] =	wrdreg $0xFFFFFFFF  }
0xa7: {  	s28 =	simm.s32 $_size_execute0_lowered;
	s3 =	sadd.s32 s3, s5;
	[dreg:$0x0] =	wrdreg $0x0  }
0xa8: {  	s5 =	sshll.u32 s28, $0x1;
	[dreg:$0x2] =	wrdreg s3  }
0xa9: {  	[dreg:$0x3] =	wrdreg s5  }
0xaa: {  	[dreg:$0x4] =	wrdreg $0xC0  }
0xab: {  	_ =	task [dreg:s7], $0x5FFFF  }
0xac: {  	[dreg:$0x1] =	wrdreg $0xFFFFFFFF  }
0xad: {  	[dreg:$0x0] =	wrdreg $0x60  }
0xae: {  	[dreg:$0x2] =	wrdreg s24  }
0xaf: {  	[dreg:$0x3] =	wrdreg s2  }
0xb0: {  	[dreg:$0x4] =	wrdreg $0xA8000  }
0xb1: {  	[dreg:$0x5] =	wrdreg $0x9  }
0xb2: {  	_ =	task.clear_ibuf [dreg:s7], $0x6FFFF;
	_ =	strace $0x9000004C  }
0xb3: {  	s29 =	simm.s32 $0x9;
	_ =	strace $0x8000004E  }
0xb4: {  	_ =	swait.ge [sflag:s29], $0x1  }
0xb5: {  	[sflag:s29] =	ssyncadd.s32 $0xFFFFFFFF  }
0xb6: {  	_ =	strace $0x9000004E  }
0xb7: {  	_ =	sfence  }
0xb8: {  	s30 =	sld [smem:$0x0];
	_ =	sdelay $0x2  }
0xb9: {  	s31 =	sshll.u32 s1, $0xD;
	s1 =	sshrl.u32 s1, $0x2  }
0xba: {  	s3 =	sand.u32 $0x4000, s31;
	s1 =	sadd.s32 s1, s30  }
0xbb: {  	s0 =	sor.u32 s3, s0;
	s1 =	sshll.u32 s1, $0x11  }
0xbc: {  	s0 =	sor.u32 s1, s0  }
0xbd: {  	s0 =	sadd.s32 $0x8F2B, s0  }
0xbe: {  	[sflag:s0] =	ssyncadd.remote.s32 $0x1  }
0xbf: {  	_ =	sfence.sel $0xFFFF  }
0xc0: {  	[dreg:$0x0] =	wrdreg $0xFFFFFFFF;
	(pc) =	sbr.abs _section_cstart, $3  }
0xc1: {  	[dreg:$0x1] =	wrdreg $0xFFFFFFFF  }
0xc2: {  	_ =	task.clear_ibuf [dreg:s7], $0x2FFFF;
	_ =	strace $0x9FFFFFFF  }
0xc3: {  	(tm) =	ssettm $0x7FFFFFFF  }
tec
execute0_lowered:
.L_overlay_start_1:
0x0: {  	(tag) =	ssettag $0x1  }
0x1: {  	s5 =	rddreg [dreg:$0x0]  }
0x2: {  	s9 =	rddreg [dreg:$0x1]  }
0x3: {  	s2 =	rddreg [dreg:$0x2]  }
0x4: {  	s0 =	rddreg [dreg:$0x3];
	s3 =	simm.s32 $0x0  }
0x5: {  	s1 =	stileid.u32;
	s4 =	srdreg.scid;
	s16 =	simm.s32 $0x2800  }
0x6: {  	[smem:$0x7FF] =	sst s3;
	s17 =	smul.u32 $0x2800, s1;
	s6 =	sand.u32 $0x1, s4  }
0x7: {  	s4 =	sadd.s32 $0x35000, s5;
	s10 =	sadd.s32 $0x2800, s5;
	s11 =	sshll.u32 s1, $0x1  }
0x8: {  	s12 =	smul.u32 $0x50000, s1;
	s30 =	sshll.u32 s1, $0x6;
	_ =	strace $0x8000004D  }
0x9: {  	s7 =	smul.u32 $0x28000, s6;
	s24 =	ssub.s32 $0x2, s6;
	s6 =	sor.u32 s6, s11  }
0xa: {  	s8 =	sadd.s32 s17, s5;
	s25 =	sshrl.u32 s24, $0x1;
	s28 =	smul.u32 $0x2800, s6  }
0xb: {  	s26 =	sshrl.u32 s12, $0x2;
	s29 =	smul.u32 $0x500, s6;
	s6 =	sor.u32 $0x1C01, s30  }
0xc: {  	s13 =	sadd.s32 s7, s5;
	s14 =	ssub.s32 s24, s25;
	s15 =	sadd.s32 s26, s2  }
0xd: {  	s5 =	sadd.s32 $0xD000, s8;
	s31 =	sshrl.u32 s28, $0x3;
	s7 =	sadd.s32 s9, s29  }
0xe: {  	s8 =	sadd.s32 s10, s29;
	s18 =	sadd.s32 $0x5D000, s13;
	s11 =	smax.u32 s14, $0x1  }
0xf: {  	s13 =	simm.s32 $0x1;
	s14 =	simm.s32 $0x1400;
	s12 =	sadd.s32 $0x280, s31  }
0x10: {  	s17 =	sadd.s32 s17, s18;
	s18 =	simm.s32 $0x0;
	s9 =	sadd.s32 s9, s12  }
0x11: {  	s10 =	sadd.s32 s10, s12;
	s12 =	sshrl.u32 s15, $0x3;
	s15 =	simm.s32 $0x80  }
.LBB2_1:
0x12: {  	[spmem:s12], [sflag:s6] =	dma.local [hbm:s5], $0x2800  }
0x13: {  	_ =	swait.ge [sflag:s13], $0x2800  }
0x14: {  	[sflag:s13] =	ssyncset.done $0x0  }
0x15: {  	[sflag:s13] =	ssyncadd.s32 $0xFFFFD800  }
0x16: {  	[bflag:$0x0] =	sbarrier.arrive $0xFFFF  }
0x17: {  	[tilespmem:s3], [sflag:$0x1] =	stream.linear.gather [hbm4b:s7+s3], $0x1400, $0x38;
	[tilespmem:$0x1E800] =	vst v63  }
0x18: {  	_ =	swait.ge [sflag:s13], $0x1400  }
0x19: {  	[sflag:s13] =	ssyncset.done $0x0  }
0x1a: {  	[sflag:s13] =	ssyncadd.s32 $0xFFFFEC00  }
0x1b: {  	[tilespmem:s14], [sflag:$0x1] =	stream.linear.gather [hbm4b:s8+s3], $0x1400, $0x38;
	[tilespmem:$0x1E800] =	vst v63  }
0x1c: {  	_ =	swait.ge [sflag:s13], $0x1400  }
0x1d: {  	[sflag:s13] =	ssyncset.done $0x0  }
0x1e: {  	s19 =	simm.s32 $0x0;
	[sflag:s13] =	ssyncadd.s32 $0xFFFFEC00  }
0x1f: {  	[tilespmem:s16], [sflag:$0x1] =	stream.indirect.gather [hbm4b:s4+s15], $0x80, s19, s15, $0xb8;
	[tilespmem:$0x1E800] =	vst v63  }
0x20: {  	_ =	swait.ge [sflag:s13], $0x4000  }
0x21: {  	[sflag:s13] =	ssyncset.done $0x0  }
0x22: {  	s31 =	simm.s32 $0x1400;
	[sflag:s13] =	ssyncadd.s32 $0xFFFFC000  }
0x23: {  	[spmem:s2] =	stream.indirect.scatter.add.f32 [tilespmem:s16], [sflag:$0x1], $0x80, s31, s15, $0xb8;
	[tilespmem:$0x1E800] =	vst v63  }
0x24: {  	_ =	swait.ge [sflag:s13], $0x4000  }
0x25: {  	s20 =	simm.s32 $0x400;
	s19 =	simm.s32 $0x200;
	[sflag:s13] =	ssyncset.done $0x0  }
.LBB2_2:
0x26: {  	s21 =	sshra.s32 s19, $0x2  }
0x27: {  	[sflag:s13] =	ssyncadd.s32 $0xFFFFC000;
	s19 =	smov.u32 s20;
	s22 =	sadd.s32 $0x200, s20  }
0x28: {  	[tilespmem:s16], [sflag:$0x1] =	stream.indirect.gather [hbm4b:s4+s15], $0x80, s21, s15, $0xb8;
	[tilespmem:$0x1E800] =	vst v63  }
0x29: {  	p0 =	sne.s32 s20, $0x4E00;
	_ =	swait.ge [sflag:s13], $0x4000  }
.Ltmp0:
0x2a: {  	[sflag:s13] =	ssyncset.done $0x0;
	(pc) =	sbr.rel @p0 .LBB2_2-.Ltmp0, $4  }
0x2b: {  	s20 =	sadd.s32 $0x1400, s21;
	[sflag:s13] =	ssyncadd.s32 $0xFFFFC000  }
0x2c: {  	[spmem:s2] =	stream.indirect.scatter.add.f32 [tilespmem:s16], [sflag:$0x1], $0x80, s20, s15, $0xb8;
	[tilespmem:$0x1E800] =	vst v63  }
0x2d: {  	_ =	swait.ge [sflag:s13], $0x4000  }
0x2e: {  	s20 =	smov.u32 s22;
	[sflag:s13] =	ssyncset.done $0x0  }
0x2f: {  	s19 =	sshra.s32 s19, $0x2;
	[sflag:s13] =	ssyncadd.s32 $0xFFFFC000  }
0x30: {  	[tilespmem:s16], [sflag:$0x1] =	stream.indirect.gather [hbm4b:s4+s15], $0x80, s19, s15, $0xb8;
	[tilespmem:$0x1E800] =	vst v63  }
0x31: {  	_ =	swait.ge [sflag:s13], $0x4000  }
0x32: {  	[sflag:s13] =	ssyncset.done $0x0  }
0x33: {  	s19 =	sadd.s32 $0x1400, s19;
	[sflag:s13] =	ssyncadd.s32 $0xFFFFC000  }
0x34: {  	[spmem:s2] =	stream.indirect.scatter.add.f32 [tilespmem:s16], [sflag:$0x1], $0x80, s19, s15, $0xb8;
	[tilespmem:$0x1E800] =	vst v63  }
0x35: {  	_ =	swait.ge [sflag:s13], $0x4000  }
0x36: {  	[sflag:s13] =	ssyncset.done $0x0  }
0x37: {  	s29 =	simm.s32 $0x0;
	[sflag:s13] =	ssyncadd.s32 $0xFFFFC000  }
0x38: {  	[tilespmem:s29], [sflag:$0x1] =	stream.linear.gather [hbm4b:s9+s29], $0x1400, $0x38;
	[tilespmem:$0x1E800] =	vst v63  }
0x39: {  	_ =	swait.ge [sflag:s13], $0x1400  }
0x3a: {  	[sflag:s13] =	ssyncset.done $0x0  }
0x3b: {  	[sflag:s13] =	ssyncadd.s32 $0xFFFFEC00  }
0x3c: {  	[tilespmem:s14], [sflag:$0x1] =	stream.linear.gather [hbm4b:s10+s29], $0x1400, $0x38;
	[tilespmem:$0x1E800] =	vst v63  }
0x3d: {  	_ =	swait.ge [sflag:s13], $0x1400  }
0x3e: {  	[sflag:s13] =	ssyncset.done $0x0  }
0x3f: {  	s30 =	simm.s32 $0x0;
	[sflag:s13] =	ssyncadd.s32 $0xFFFFEC00  }
0x40: {  	[tilespmem:s16], [sflag:$0x1] =	stream.indirect.gather [hbm4b:s4+s15], $0x80, s30, s15, $0xb8;
	[tilespmem:$0x1E800] =	vst v63  }
0x41: {  	_ =	swait.ge [sflag:s13], $0x4000  }
0x42: {  	[sflag:s13] =	ssyncset.done $0x0  }
0x43: {  	s31 =	simm.s32 $0x1400;
	[sflag:s13] =	ssyncadd.s32 $0xFFFFC000  }
0x44: {  	[spmem:s2] =	stream.indirect.scatter.add.f32 [tilespmem:s16], [sflag:$0x1], $0x80, s31, s15, $0xb8;
	[tilespmem:$0x1E800] =	vst v63  }
0x45: {  	_ =	swait.ge [sflag:s13], $0x4000  }
0x46: {  	s20 =	simm.s32 $0x400;
	s19 =	simm.s32 $0x200;
	[sflag:s13] =	ssyncset.done $0x0  }
.LBB2_4:
0x47: {  	s21 =	sshra.s32 s19, $0x2  }
0x48: {  	[sflag:s13] =	ssyncadd.s32 $0xFFFFC000;
	s19 =	smov.u32 s20;
	s22 =	sadd.s32 $0x200, s20  }
0x49: {  	[tilespmem:s16], [sflag:$0x1] =	stream.indirect.gather [hbm4b:s4+s15], $0x80, s21, s15, $0xb8;
	[tilespmem:$0x1E800] =	vst v63  }
0x4a: {  	p0 =	sne.s32 s20, $0x4E00;
	_ =	swait.ge [sflag:s13], $0x4000  }
.Ltmp1:
0x4b: {  	[sflag:s13] =	ssyncset.done $0x0;
	(pc) =	sbr.rel @p0 .LBB2_4-.Ltmp1, $4  }
0x4c: {  	s20 =	sadd.s32 $0x1400, s21;
	[sflag:s13] =	ssyncadd.s32 $0xFFFFC000  }
0x4d: {  	[spmem:s2] =	stream.indirect.scatter.add.f32 [tilespmem:s16], [sflag:$0x1], $0x80, s20, s15, $0xb8;
	[tilespmem:$0x1E800] =	vst v63  }
0x4e: {  	_ =	swait.ge [sflag:s13], $0x4000  }
0x4f: {  	s20 =	smov.u32 s22;
	[sflag:s13] =	ssyncset.done $0x0  }
0x50: {  	s19 =	sshra.s32 s19, $0x2;
	[sflag:s13] =	ssyncadd.s32 $0xFFFFC000  }
0x51: {  	[tilespmem:s16], [sflag:$0x1] =	stream.indirect.gather [hbm4b:s4+s15], $0x80, s19, s15, $0xb8;
	[tilespmem:$0x1E800] =	vst v63  }
0x52: {  	_ =	swait.ge [sflag:s13], $0x4000  }
0x53: {  	[sflag:s13] =	ssyncset.done $0x0  }
0x54: {  	s19 =	sadd.s32 $0x1400, s19;
	[sflag:s13] =	ssyncadd.s32 $0xFFFFC000  }
0x55: {  	[spmem:s2] =	stream.indirect.scatter.add.f32 [tilespmem:s16], [sflag:$0x1], $0x80, s19, s15, $0xb8;
	[tilespmem:$0x1E800] =	vst v63  }
0x56: {  	_ =	swait.ge [sflag:s13], $0x4000  }
0x57: {  	s18 =	sadd.s32 $0x1, s18;
	[sflag:s13] =	ssyncset.done $0x0  }
0x58: {  	p0 =	sne.s32 s18, s11;
	[sflag:s13] =	ssyncadd.s32 $0xFFFFC000  }
.Ltmp2:
0x59: {  	[bflag:$0x0] =	sbarrier.arrive $0xFFFF;
	(pc) =	sbr.rel @p0 .LBB2_1-.Ltmp2, $4  }
0x5a: {  	[hbm:s17], [sflag:s6] =	dma.local [spmem:s12], $0x2800  }
0x5b: {  	_ =	swait.ge [sflag:s13], $0x2800  }
0x5c: {  	[sflag:s13] =	ssyncset.done $0x0  }
0x5d: {  	[sflag:s13] =	ssyncadd.s32 $0xFFFFD800  }
0x5e: {  	_ =	sfence.sel $0x180000  }
0x5f: {  	[bflag:$0x0] =	sbarrier.arrive $0xFFFF  }
0x60: {  	p0 =	sne.s32 s1, $0x0;
	_ =	strace $0x9000004D  }
0x61: {  	s0 =	sadd.s32 @!p0 $0x100000, s0;
	[bflag:$0x2] =	sbarrier.arrive $0xFFFF  }
0x62: {  	[sflag:s0] =	ssyncadd.tile.s32 @!p0 $0x1;
	_ =	shalt  }
.Lfunc_end2:
_tile_overlayer_lowered:
.L_overlay_start_2:
0x63: {  	(tag) =	ssettag $0x2  }
0x64: {  	s0 =	rddreg [dreg:$0x0];
	s2 =	stileid.u32  }
0x65: {  	s1 =	rddreg [dreg:$0x1];
	p0 =	sne.s32 s2, $0x0  }
0x66: {  	s3 =	rddreg [dreg:$0x2];
	[bflag:$0x3] =	sbarrier.arrive $0xFFFF;
	s2 =	simm.s32 @!p0 $0x1C01  }
0x67: {  	[timem:s3], [sflag:s2] =	dma.local @!p0 [hbm:s0], s1  }
0x68: {  	s0 =	simm.s32 @!p0 $0x1  }
0x69: {  	_ =	swait.ge @!p0 [sflag:s0], s1  }
0x6a: {  	s1 =	ssub.s32 @!p0 $0x0, s1;
	[sflag:s0] =	ssyncset.done @!p0 $0x0  }
0x6b: {  	[sflag:s0] =	ssyncadd.s32 @!p0 s1  }
0x6c: {  	[bflag:$0x3] =	sbarrier.arrive $0xFFFF  }
0x6d: {  	_ =	shalt  }

// kernel: kernel.9.cloned.1.call-start
scs
__scs_entry_jumppad:
0x0: {  	(pc) =	sbr.rel $0x88, $3  }
0x1: {  	(tag) =	ssettag $0x0;
	lr =	simm.s32 $0x1  }
0x2: {  	[smem:$0x3F9B] =	sst lr;
	_ =	strace $0xD0000000  }
0x3: {  	_ = 	snop  }
0x4: {  	_ = 	snop  }
0x5: {  	_ = 	snop  }
0x6: {  	_ = 	snop  }
0x7: {  	_ = 	snop  }
__scs_overlays_trampoline_lowered:
0x8: {  	[smem:$0x3FAA] =	sst s0  }
0x9: {  	[smem:$0x3FAB] =	sst s1  }
0xa: {  	[smem:$0x3FAC] =	sst s2  }
0xb: {  	[smem:$0x3FAD] =	sst s3  }
0xc: {  	[smem:$0x3FAE] =	sst s4  }
0xd: {  	[smem:$0x3FAF] =	sst s5  }
0xe: {  	[smem:$0x3FB0] =	sst s6  }
0xf: {  	[smem:$0x3FB1] =	sst s7  }
0x10: {  	[smem:$0x3FB2] =	sst s8  }
0x11: {  	[smem:$0x3FB3] =	sst s9;
	s0 =	simm.s32 @!p0 $0x0  }
0x12: {  	s1 =	sld [smem:$0x3F99];
	s0 =	simm.s32 @p0 $0x1  }
0x13: {  	[smem:$0x3FB4] =	sst s0;
	s0 =	simm.s32 @!p1 $0x0  }
0x14: {  	s2 =	sld [smem:$0x3F98];
	s0 =	simm.s32 @p1 $0x1  }
0x15: {  	[smem:$0x3FB5] =	sst s0;
	s0 =	simm.s32 @!p2 $0x0  }
0x16: {  	s3 =	sld [smem:$0x3FDB];
	s0 =	simm.s32 @p2 $0x1  }
0x17: {  	s4 =	simm.s32 $0x1BF5;
	[smem:$0x3FB7] =	sst s0  }
0x18: {  	s0 =	sld [smem:$0x3F9A];
	_ =	swait.ge [sflag:s4], $0x0  }
0x19: {  	s7 =	sld [smem:$0x3F9B]  }
0x1a: {  	s8 =	sadd.s32 $0xFFFFE003, lr  }
0x1b: {  	s9 =	sadd.s32 $0xFFFFFEF7, lr;
	s5 =	simm.s32 $0xFFFFFFFF;
	p2 =	slt.u32 s8, $0xFFFFF086  }
0x1c: {  	p1 =	slt.u32 s9, $0xF7A;
	s5 =	simm.s32 @!p2 $0x0  }
0x1d: {  	s5 =	simm.s32 @p1 $0x1;
	p0 =	seq.s32 s7, s2  }
0x1e: {  	s7 =	smul.u32 @!p0 $0xF7A, s2;
	p2 =	seq.s32 @!p0 s5, $0x0  }
0x1f: {  	s9 =	smul.u32 $0xF7A, s1;
	s8 =	simm.s32 @!p0 $0x1BF5;
	p2 =	por !p2, p0  }
0x20: {  	[sflag:s8] =	ssyncset.s32 @!p0 $0xFFFFF086;
	s6 =	sadd.s32 @!p0 s3, s7;
	s7 =	simm.s32 @!p0 $0x108  }
0x21: {  	s3 =	sadd.s32 s3, s9;
	s6 =	sadd.s32 @!p0 $0x88, s6;
	s7 =	simm.s32 @p2 $0x1082  }
0x22: {  	[simem:s7], [sflag:s8] =	dma.local @!p0 [hbm:s6], $0xF7A  }
0x23: {  	s9 =	sor.u32 $0xD0000000, s2;
	s6 =	simm.s32 $0x108;
	_ =	swait.ge @!p0 [sflag:s8], $0x0  }
0x24: {  	s3 =	sadd.s32 $0x88, s3;
	s6 =	simm.s32 @!p1 $0x1082;
	[sflag:s4] =	ssyncset.s32 $0xFFFFF086  }
0x25: {  	[simem:s6], [sflag:s4] =	dma.local [hbm:s3], $0xF7A  }
0x26: {  	[smem:$0x3F9B] =	sst s1;
	(tag) =	ssettag s2;
	_ =	strace s9  }
0x27: {  	s1 =	sld [smem:$0x3FAB]  }
0x28: {  	s2 =	sld [smem:$0x3FAC]  }
0x29: {  	s4 =	sld [smem:$0x3FAE]  }
0x2a: {  	p0 =	seq.s32 s5, $0x0;
	s5 =	sld [smem:$0x3FAF]  }
0x2b: {  	s6 =	sld [smem:$0x3FB0]  }
0x2c: {  	s7 =	sld [smem:$0x3FB1]  }
0x2d: {  	s3 =	simm.s32 $0x108;
	s8 =	sld [smem:$0x3FB2]  }
0x2e: {  	s3 =	simm.s32 @!p0 $0x1082;
	s9 =	sld [smem:$0x3FB3]  }
0x2f: {  	lr =	sadd.s32 s0, s3;
	s0 =	sld [smem:$0x3FAA]  }
0x30: {  	s3 =	sld [smem:$0x3FAD]  }
0x31: {  	[smem:$0x3FB6] =	sst s10  }
0x32: {  	s10 =	sld [smem:$0x3FB4];
	_ =	sdelay $0x3  }
0x33: {  	p0 =	seq.s32 s10, $0x1;
	s10 =	sld [smem:$0x3FB6];
	_ =	sdelay $0x3  }
0x34: {  	[smem:$0x3FB6] =	sst s10  }
0x35: {  	s10 =	sld [smem:$0x3FB5];
	_ =	sdelay $0x3  }
0x36: {  	p1 =	seq.s32 s10, $0x1;
	s10 =	sld [smem:$0x3FB6];
	_ =	sdelay $0x3  }
0x37: {  	[smem:$0x3FB6] =	sst s10  }
0x38: {  	s10 =	sld [smem:$0x3FB7]  }
0x39: {  	_ = 	snop;
	(pc) =	sbr.ind lr, $3  }
0x3a: {  	_ = 	snop  }
0x3b: {  	_ = 	snop  }
0x3c: {  	p2 =	seq.s32 s10, $0x1;
	s10 =	sld [smem:$0x3FB6]  }
0x3d: {  	_ =	shalt  }
0x3e: {  	_ =	shalt  }
0x3f: {  	_ =	shalt  }
0x40: {  	_ =	shalt  }
0x41: {  	_ =	shalt  }
0x42: {  	_ =	shalt  }
0x43: {  	_ =	shalt  }
0x44: {  	_ =	shalt  }
0x45: {  	_ =	shalt  }
0x46: {  	_ =	shalt  }
0x47: {  	_ =	shalt  }
0x48: {  	_ =	shalt  }
0x49: {  	_ =	shalt  }
0x4a: {  	_ =	shalt  }
0x4b: {  	_ =	shalt  }
0x4c: {  	_ =	shalt  }
0x4d: {  	_ =	shalt  }
0x4e: {  	_ =	shalt  }
0x4f: {  	_ =	shalt  }
0x50: {  	_ =	shalt  }
0x51: {  	_ =	shalt  }
0x52: {  	_ =	shalt  }
0x53: {  	_ =	shalt  }
0x54: {  	_ =	shalt  }
0x55: {  	_ =	shalt  }
0x56: {  	_ =	shalt  }
0x57: {  	_ =	shalt  }
0x58: {  	_ =	shalt  }
0x59: {  	_ =	shalt  }
0x5a: {  	_ =	shalt  }
0x5b: {  	_ =	shalt  }
0x5c: {  	_ =	shalt  }
0x5d: {  	_ =	shalt  }
0x5e: {  	_ =	shalt  }
0x5f: {  	_ =	shalt  }
0x60: {  	_ =	shalt  }
0x61: {  	_ =	shalt  }
0x62: {  	_ =	shalt  }
0x63: {  	_ =	shalt  }
0x64: {  	_ =	shalt  }
0x65: {  	_ =	shalt  }
0x66: {  	_ =	shalt  }
0x67: {  	_ =	shalt  }
0x68: {  	_ =	shalt  }
0x69: {  	_ =	shalt  }
0x6a: {  	_ =	shalt  }
0x6b: {  	_ =	shalt  }
0x6c: {  	_ =	shalt  }
0x6d: {  	_ =	shalt  }
0x6e: {  	_ =	shalt  }
0x6f: {  	_ =	shalt  }
0x70: {  	_ =	shalt  }
0x71: {  	_ =	shalt  }
0x72: {  	_ =	shalt  }
0x73: {  	_ =	shalt  }
0x74: {  	_ =	shalt  }
0x75: {  	_ =	shalt  }
0x76: {  	_ =	shalt  }
0x77: {  	_ =	shalt  }
0x78: {  	_ =	shalt  }
0x79: {  	_ =	shalt  }
0x7a: {  	_ =	shalt  }
0x7b: {  	_ =	shalt  }
0x7c: {  	_ =	shalt  }
0x7d: {  	_ =	shalt  }
0x7e: {  	_ =	shalt  }
0x7f: {  	_ =	shalt  }
0x80: {  	_ =	shalt  }
0x81: {  	_ =	shalt  }
0x82: {  	_ =	shalt  }
0x83: {  	_ =	shalt  }
0x84: {  	_ =	shalt  }
0x85: {  	_ =	shalt  }
0x86: {  	_ =	shalt  }
0x87: {  	_ =	shalt  }
.Lfunc_end0:
.L_simem_size_0:
called_computation_lowered:
.L_overlay_start_0:
0x88: {  	s2 =	sld [smem:$0x3FD9]  }
0x89: {  	s3 =	sld [smem:$0x3FFE];
	_ =	sdelay $0x1  }
0x8a: {  	s1 =	srdreg.scid  }
0x8b: {  	s0 =	sand.u32 $0x1, s1  }
0x8c: {  	s16 =	sshll.u32 s0, $0xA;
	s2 =	sadd.s32 s3, s2  }
0x8d: {  	s2 =	sadd.s32 s2, s16  }
0x8e: {  	[smem:$0x3FC2] =	sst s2  }
0x8f: {  	_ = 	snop  }
0x90: {  	(tm) =	ssettm $0x1  }
0x91: {  	s17 =	sld [smem:$0x3FFB];
	_ =	sdelay $0x3  }
0x92: {  	_ =	strace s17  }
0x93: {  	s2 =	sld [smem:$0x3FFC];
	_ =	sdelay $0x3  }
0x94: {  	_ =	strace s2  }
0x95: {  	s2 =	sld [smem:$0x3FFD];
	_ =	sdelay $0x3  }
0x96: {  	_ =	strace s2  }
0x97: {  	_ =	strace $0x8FFFFFFF  }
0x98: {  	s18 =	sld [smem:$0x3FDB];
	_ =	sdelay $0x1  }
0x99: {  	s19 =	simm.s32 $_scs_section_size  }
0x9a: {  	s4 =	simm.s32 $_size__tile_overlayer_lowered;
	s5 =	simm.s32 $_tile_overlayer_lowered  }
0x9b: {  	s22 =	simm.s32 $0x1BFF;
	s21 =	sshll.u32 s5, $0x1;
	s2 =	sadd.s32 s19, s18  }
0x9c: {  	s6 =	simm.s32 $0x0;
	s20 =	sshll.u32 s4, $0x1;
	s4 =	sadd.s32 s21, s2  }
0x9d: {  	[timem:s6], [sflag:s22] =	dma.local [hbm:s4], s20  }
0x9e: {  	_ =	swait.ge [sflag:s22], s20  }
0x9f: {  	s3 =	ssub.s32 $0x0, s20;
	[sflag:s22] =	ssyncset.done $0x0  }
0xa0: {  	[sflag:s22] =	ssyncadd.s32 s3;
	_ =	sdelay $0x1  }
0xa1: {  	s23 =	simm.s32 $0x1B8B  }
0xa2: {  	_ =	swait.ge [sflag:s23], $0x1  }
0xa3: {  	[sflag:s23] =	ssyncset.done $0x0  }
0xa4: {  	s25 =	simm.s32 $0x1B8E;
	s24 =	sld [smem:$0x3FFE];
	[sflag:s23] =	ssyncadd.s32 $0xFFFFFFFF  }
0xa5: {  	s26 =	simm.s32 $execute0_lowered;
	[smem:$0x3FD2] =	sst s25  }
0xa6: {  	s4 =	sshll.u32 s26, $0x1;
	_ =	strace $0x80000046;
	[dreg:$0x1] =	wrdreg $0xFFFFFFFF  }
0xa7: {  	s28 =	simm.s32 $_size_execute0_lowered;
	s2 =	sadd.s32 s2, s4;
	[dreg:$0x0] =	wrdreg $0x0  }
0xa8: {  	s4 =	sshll.u32 s28, $0x1;
	[dreg:$0x2] =	wrdreg s2  }
0xa9: {  	[dreg:$0x3] =	wrdreg s4  }
0xaa: {  	[dreg:$0x4] =	wrdreg $0xC0  }
0xab: {  	_ =	task [dreg:s6], $0x5FFFF  }
0xac: {  	[dreg:$0x1] =	wrdreg $0xFFFFFFFF  }
0xad: {  	[dreg:$0x0] =	wrdreg $0x60  }
0xae: {  	[dreg:$0x2] =	wrdreg s24  }
0xaf: {  	[dreg:$0x3] =	wrdreg $0x68000  }
0xb0: {  	[dreg:$0x4] =	wrdreg $0x9  }
0xb1: {  	_ =	task.clear_ibuf [dreg:s6], $0x5FFFF;
	_ =	strace $0x90000046  }
0xb2: {  	s29 =	simm.s32 $0x9;
	_ =	strace $0x80000048  }
0xb3: {  	_ =	swait.ge [sflag:s29], $0x1  }
0xb4: {  	[sflag:s29] =	ssyncadd.s32 $0xFFFFFFFF  }
0xb5: {  	_ =	strace $0x90000048  }
0xb6: {  	_ =	sfence  }
0xb7: {  	s30 =	sld [smem:$0x0];
	_ =	sdelay $0x2  }
0xb8: {  	s31 =	sshll.u32 s1, $0xD;
	s1 =	sshrl.u32 s1, $0x2  }
0xb9: {  	s3 =	sand.u32 $0x4000, s31;
	s1 =	sadd.s32 s1, s30  }
0xba: {  	s0 =	sor.u32 s3, s0;
	s1 =	sshll.u32 s1, $0x11  }
0xbb: {  	s0 =	sor.u32 s1, s0  }
0xbc: {  	s0 =	sadd.s32 $0x8F2B, s0  }
0xbd: {  	[sflag:s0] =	ssyncadd.remote.s32 $0x1  }
0xbe: {  	_ =	sfence.sel $0xFFFF  }
0xbf: {  	[dreg:$0x0] =	wrdreg $0xFFFFFFFF;
	(pc) =	sbr.abs _section_cstart, $3  }
0xc0: {  	[dreg:$0x1] =	wrdreg $0xFFFFFFFF  }
0xc1: {  	_ =	task.clear_ibuf [dreg:s6], $0x2FFFF;
	_ =	strace $0x9FFFFFFF  }
0xc2: {  	(tm) =	ssettm $0x7FFFFFFF  }
0xc3: {  	_ =	shalt  }
tec
execute0_lowered:
.L_overlay_start_1:
0x0: {  	(tag) =	ssettag $0x1  }
0x1: {  	s1 =	srdreg.scid  }
0x2: {  	s0 =	stileid.u32;
	s5 =	rddreg [dreg:$0x0]  }
0x3: {  	s2 =	rddreg [dreg:$0x1];
	s3 =	simm.s32 $0x0;
	s6 =	sand.u32 $0x1, s1  }
0x4: {  	s30 =	sshll.u32 s0, $0x1;
	s1 =	rddreg [dreg:$0x2];
	s13 =	smul.u32 $0x2800, s0  }
0x5: {  	[smem:$0x7FF] =	sst s3;
	s8 =	smul.u32 $0x50000, s0;
	s31 =	sshll.u32 s0, $0x6  }
0x6: {  	s4 =	sor.u32 s6, s30;
	_ =	strace $0x80000047;
	s9 =	smul.u32 $0x28000, s6  }
0x7: {  	s6 =	ssub.s32 $0x2, s6;
	s4 =	smul.u32 $0x500, s4;
	s10 =	sadd.s32 s13, s5  }
0x8: {  	s11 =	sshrl.u32 s6, $0x1;
	s8 =	sshrl.u32 s8, $0x2;
	s9 =	sadd.s32 s9, s5  }
0x9: {  	s11 =	ssub.s32 s6, s11;
	s12 =	sadd.s32 s8, s2;
	s8 =	simm.s32 $0x1  }
0xa: {  	s7 =	sadd.s32 s4, s5;
	s4 =	sadd.s32 $0xC800, s5;
	s5 =	sadd.s32 $0xD000, s10  }
0xb: {  	s14 =	sadd.s32 $0x35000, s9;
	s9 =	sor.u32 $0x1C01, s31;
	s10 =	sshrl.u32 s12, $0x3  }
0xc: {  	s12 =	simm.s32 $0x80;
	s6 =	sadd.s32 $0x2800, s7;
	s7 =	smax.u32 s11, $0x1  }
0xd: {  	s11 =	simm.s32 $0x4000;
	s13 =	sadd.s32 s13, s14;
	s14 =	simm.s32 $0x0  }
.LBB2_1:
0xe: {  	[tilespmem:s3], [sflag:$0x1] =	stream.linear.gather [hbm4b:s4+s3], $0x4000, $0x38;
	[tilespmem:$0x1A800] =	vst v63  }
0xf: {  	_ =	swait.ge [sflag:s8], $0x4000  }
0x10: {  	[sflag:s8] =	ssyncset.done $0x0  }
0x11: {  	[sflag:s8] =	ssyncadd.s32 $0xFFFFC000  }
0x12: {  	[spmem:s10], [sflag:s9] =	dma.local [hbm:s5], $0x2800  }
0x13: {  	_ =	swait.ge [sflag:s8], $0x2800  }
0x14: {  	[sflag:s8] =	ssyncset.done $0x0  }
0x15: {  	[sflag:s8] =	ssyncadd.s32 $0xFFFFD800  }
0x16: {  	[tilespmem:s11], [sflag:$0x1] =	stream.linear.gather [hbm4b:s6+s3], $0x2800, $0x38;
	[tilespmem:$0x1A800] =	vst v63  }
0x17: {  	_ =	swait.ge [sflag:s8], $0x2800  }
0x18: {  	[sflag:s8] =	ssyncset.done $0x0  }
0x19: {  	[sflag:s8] =	ssyncadd.s32 $0xFFFFD800  }
0x1a: {  	s15 =	simm.s32 $0x4000;
	[bflag:$0x0] =	sbarrier.arrive $0xFFFF  }
0x1b: {  	[spmem:s2] =	stream.indirect.scatter.add.f32 [tilespmem:s3], [sflag:$0x1], $0x80, s15, s12, $0xb8;
	[tilespmem:$0x1A800] =	vst v63  }
0x1c: {  	s15 =	simm.s32 $0x200;
	_ =	swait.ge [sflag:s8], $0x4000  }
.LBB2_2:
0x1d: {  	s16 =	sshra.s32 s15, $0x2;
	[sflag:s8] =	ssyncset.done $0x0;
	p0 =	sne.s32 s15, $0x9E00  }
.Ltmp0:
0x1e: {  	s16 =	sadd.s32 $0x4000, s16;
	[sflag:s8] =	ssyncadd.s32 $0xFFFFC000;
	(pc) =	sbr.rel @p0 .LBB2_2-.Ltmp0, $3  }
0x1f: {  	[spmem:s2] =	stream.indirect.scatter.add.f32 [tilespmem:s3], [sflag:$0x1], $0x80, s16, s12, $0xb8;
	[tilespmem:$0x1A800] =	vst v63  }
0x20: {  	s15 =	sadd.s32 $0x200, s15;
	_ =	sdelay $0x1  }
0x21: {  	_ =	swait.ge [sflag:s8], $0x4000  }
0x22: {  	[sflag:s8] =	ssyncset.done $0x0;
	s14 =	sadd.s32 $0x1, s14  }
0x23: {  	[sflag:s8] =	ssyncadd.s32 $0xFFFFC000;
	p0 =	sne.s32 s14, s7  }
.Ltmp1:
0x24: {  	[bflag:$0x0] =	sbarrier.arrive $0xFFFF;
	(pc) =	sbr.rel @p0 .LBB2_1-.Ltmp1, $4  }
0x25: {  	[hbm:s13], [sflag:s9] =	dma.local [spmem:s10], $0x2800  }
0x26: {  	_ =	swait.ge [sflag:s8], $0x2800  }
0x27: {  	[sflag:s8] =	ssyncset.done $0x0  }
0x28: {  	[sflag:s8] =	ssyncadd.s32 $0xFFFFD800  }
0x29: {  	_ =	sfence.sel $0x180000  }
0x2a: {  	[bflag:$0x0] =	sbarrier.arrive $0xFFFF  }
0x2b: {  	p0 =	sne.s32 s0, $0x0;
	_ =	strace $0x90000047  }
0x2c: {  	s0 =	sadd.s32 @!p0 $0x100000, s1;
	[bflag:$0x2] =	sbarrier.arrive $0xFFFF  }
0x2d: {  	[sflag:s0] =	ssyncadd.tile.s32 @!p0 $0x1;
	_ =	shalt  }
.Lfunc_end2:
_tile_overlayer_lowered:
.L_overlay_start_2:
0x2e: {  	(tag) =	ssettag $0x2  }
0x2f: {  	s0 =	rddreg [dreg:$0x0];
	s2 =	stileid.u32  }
0x30: {  	s1 =	rddreg [dreg:$0x1];
	p0 =	sne.s32 s2, $0x0  }
0x31: {  	s3 =	rddreg [dreg:$0x2];
	[bflag:$0x3] =	sbarrier.arrive $0xFFFF;
	s2 =	simm.s32 @!p0 $0x1C01  }
0x32: {  	[timem:s3], [sflag:s2] =	dma.local @!p0 [hbm:s0], s1  }
0x33: {  	s0 =	simm.s32 @!p0 $0x1  }
0x34: {  	_ =	swait.ge @!p0 [sflag:s0], s1  }
0x35: {  	s1 =	ssub.s32 @!p0 $0x0, s1;
	[sflag:s0] =	ssyncset.done @!p0 $0x0  }
0x36: {  	[sflag:s0] =	ssyncadd.s32 @!p0 s1  }
0x37: {  	[bflag:$0x3] =	sbarrier.arrive $0xFFFF  }
0x38: {  	_ =	shalt  }

</sc_bundles>
